<compile_context>
chip_gen: v7x
topology: tpu7x:2x2x1
jax: 0.10.2.dev20260603
libtpu: 0.0.44.dev20260713+nightly
codegen_flags: <defaults>
</compile_context>

<pallas_src>
import functools

import jax
import jax.numpy as jnp
from jax import lax
from jax.experimental import pallas as pl
from jax.experimental.pallas import tpu as pltpu
from jax.experimental.pallas import tpu_sc as plsc

_RADIUS = 2.0
_NS = 32
_W_LIST = ((1.0, 0.2), (0.5, 1.0))
_BIG = 1.0e9

_SBLK_SEL = 128
_SBLK_MLP = 128

_SC_NC = 2
_SC_NSUB = 16
_SC_NW = _SC_NC * _SC_NSUB
_SC_CB = 128



def _sel_body(tl_ref, xyzT_ref, cen_ref, idx1_ref, idx2_ref, *, n, sblk):
    b = pl.program_id(0)
    cen = cen_ref[0]
    pts = xyzT_ref[0]
    tl = tl_ref[0]
    gaps = tl[:, 1:] - tl[:, :-1]
    mt = jnp.max(gaps) ** 2

    cen_b = cen.astype(jnp.bfloat16).astype(jnp.float32)
    pts_b = pts.astype(jnp.bfloat16).astype(jnp.float32)
    sn_xy = jnp.sum(cen[:, 0:2] ** 2, axis=1, keepdims=True)
    dn_xy = jnp.sum(pts[0:2, :] ** 2, axis=0, keepdims=True)
    mm_xy = cen_b[:, 0:1] * pts_b[0:1, :] + cen_b[:, 1:2] * pts_b[1:2, :]
    dxy = -2.0 * mm_xy
    dxy = dxy + sn_xy
    dxy = dxy + dn_xy
    st = cen[:, 2:3]
    dtp = pts[2:3, :]
    dt = -2.0 * (st * dtp)
    dt = dt + st ** 2
    dt = dt + dtp ** 2
    mm_o = (cen_b[:, 0:1] * pts_b[0:1, :] + cen_b[:, 1:2] * pts_b[1:2, :]) \
        + cen_b[:, 2:3] * pts_b[2:3, :]
    dori = -2.0 * mm_o
    dori = dori + jnp.sum(cen ** 2, axis=1, keepdims=True)
    dori = dori + jnp.sum(pts ** 2, axis=0, keepdims=True)
    valid = (dxy <= _RADIUS) & (dt <= mt)
    iota0 = lax.broadcasted_iota(jnp.int32, (sblk, n), 1)

    m0 = jnp.min(dori, axis=1, keepdims=True)
    gf = jnp.min(jnp.where(dori == m0, iota0, n), axis=1, keepdims=True)

    base = b * n
    (wa0, wa1), (wb0, wb1) = _W_LIST
    da0 = jnp.where(valid, dxy * wa0 + dt * wa1, _BIG)
    db0 = jnp.where(valid, dxy * wb0 + dt * wb1, _BIG)
    acc0 = jnp.zeros((sblk, _NS), jnp.int32)

    def body(k, carry):
        d1, d2, a1, a2 = carry
        iota = lax.broadcasted_iota(jnp.int32, (sblk, n), 1)
        kiota = lax.broadcasted_iota(jnp.int32, (sblk, _NS), 1)
        mv1 = jnp.min(d1, axis=1, keepdims=True)
        mv2 = jnp.min(d2, axis=1, keepdims=True)
        ai1 = jnp.min(jnp.where(d1 == mv1, iota, n), axis=1, keepdims=True)
        ai2 = jnp.min(jnp.where(d2 == mv2, iota, n), axis=1, keepdims=True)
        sel1 = jnp.where(mv1 >= _BIG, gf, ai1)
        sel2 = jnp.where(mv2 >= _BIG, gf, ai2)
        a1 = jnp.where(kiota == k, sel1 + base, a1)
        a2 = jnp.where(kiota == k, sel2 + base, a2)
        d1 = jnp.where(iota == ai1, _BIG, d1)
        d2 = jnp.where(iota == ai2, _BIG, d2)
        return d1, d2, a1, a2

    _, _, acc1, acc2 = lax.fori_loop(0, _NS, body, (da0, db0, acc0, acc0))
    idx1_ref[0] = acc1
    idx2_ref[0] = acc2


def _select_indices(t_list, xyzT, center, interpret=False):
    B, _, N = xyzT.shape
    S = center.shape[1]
    grid = (B, S // _SBLK_SEL)
    out_shape = jax.ShapeDtypeStruct((B, S, _NS), jnp.int32)
    return pl.pallas_call(
        functools.partial(_sel_body, n=N, sblk=_SBLK_SEL),
        grid=grid,
        in_specs=[
            pl.BlockSpec((1, 1, 16), lambda b, s: (b, 0, 0)),
            pl.BlockSpec((1, 3, N), lambda b, s: (b, 0, 0)),
            pl.BlockSpec((1, _SBLK_SEL, 3), lambda b, s: (b, s, 0)),
        ],
        out_specs=[
            pl.BlockSpec((1, _SBLK_SEL, _NS), lambda b, s: (b, s, 0)),
            pl.BlockSpec((1, _SBLK_SEL, _NS), lambda b, s: (b, s, 0)),
        ],
        out_shape=[out_shape, out_shape],
        interpret=interpret,
    )(t_list, xyzT, center)



def _make_sc_gather(n_rows, dp):
    b_per_w = n_rows // _SC_NW
    n_chunks = b_per_w // _SC_CB
    mesh = plsc.VectorSubcoreMesh(core_axis_name="c", subcore_axis_name="s")

    @functools.partial(
        pl.kernel,
        mesh=mesh,
        compiler_params=pltpu.CompilerParams(use_tc_tiling_on_sc=False),
        out_type=jax.ShapeDtypeStruct((n_rows, dp), jnp.float32),
        scratch_types=[
            pltpu.VMEM((_SC_CB,), jnp.int32),
            pltpu.VMEM((_SC_CB, dp), jnp.float32),
            pltpu.SemaphoreType.DMA,
        ],
    )
    def gather_k(table_hbm, idx_hbm, out_hbm, idx_v, rows_v, sem):
        wid = lax.axis_index("s") * _SC_NC + lax.axis_index("c")
        base_w = wid * b_per_w

        def chunk(i, _):
            base = base_w + i * _SC_CB
            pltpu.sync_copy(idx_hbm.at[pl.ds(base, _SC_CB)], idx_v)
            pltpu.async_copy(table_hbm.at[idx_v], rows_v, sem).wait()
            pltpu.sync_copy(rows_v, out_hbm.at[pl.ds(base, _SC_CB)])
            return 0

        lax.fori_loop(0, n_chunks, chunk, 0)

    return gather_k



def _p1_body(g_ref, cen_ref, w1_ref, b1_ref, y1_ref, acc_ref, *, sblk):
    first = (pl.program_id(1) == 0) & (pl.program_id(2) == 0)
    x = g_ref[0, 0]
    cen = cen_ref[0]
    sub = jnp.concatenate(
        [cen, jnp.zeros((sblk, 29), jnp.float32)], axis=1)
    x3 = x.reshape(sblk, _NS, 32) - sub[:, None, :]
    xf = x3.reshape(sblk * _NS, 32)
    y1 = jnp.dot(xf, w1_ref[...], preferred_element_type=jnp.float32)
    y1 = y1 + b1_ref[...]
    y1_ref[0, 0] = y1

    s1 = jnp.sum(y1, axis=0, keepdims=True)
    s2 = jnp.sum(y1 * y1, axis=0, keepdims=True)
    z96 = jnp.zeros((1, 96), jnp.float32)
    row0 = jnp.concatenate([s1, z96], axis=1)
    row1 = jnp.concatenate([s2, z96], axis=1)
    blk = jnp.concatenate(
        [row0, row1, jnp.zeros((6, 128), jnp.float32)], axis=0)

    @pl.when(first)
    def _():
        acc_ref[...] = jnp.zeros_like(acc_ref)

    acc_ref[...] = acc_ref[...] + blk[None]


def _mlp_pass1(g4, center, w1pT, b1p, interpret=False):
    W, B, SN, _ = g4.shape
    S = center.shape[1]
    grid = (W, B, S // _SBLK_MLP)
    return pl.pallas_call(
        functools.partial(_p1_body, sblk=_SBLK_MLP),
        grid=grid,
        in_specs=[
            pl.BlockSpec((1, 1, _SBLK_MLP * _NS, 32), lambda w, b, s: (w, b, s, 0)),
            pl.BlockSpec((1, _SBLK_MLP, 3), lambda w, b, s: (b, s, 0)),
            pl.BlockSpec((32, 32), lambda w, b, s: (0, 0)),
            pl.BlockSpec((1, 32), lambda w, b, s: (0, 0)),
        ],
        out_specs=[
            pl.BlockSpec((1, 1, _SBLK_MLP * _NS, 32), lambda w, b, s: (w, b, s, 0)),
            pl.BlockSpec((1, 8, 128), lambda w, b, s: (w, 0, 0)),
        ],
        out_shape=[
            jax.ShapeDtypeStruct((W, B, SN, 32), jnp.float32),
            jax.ShapeDtypeStruct((W, 8, 128), jnp.float32),
        ],
        interpret=interpret,
    )(g4, center, w1pT, b1p)



def _p2_body(y1_ref, acc1_ref, g1_ref, be1_ref, w2_ref, b2_ref,
             ymax_ref, ymin_ref, acc2_ref, *, sblk, m_count):
    first = (pl.program_id(1) == 0) & (pl.program_id(2) == 0)
    inv = 1.0 / float(m_count)
    s1 = acc1_ref[0, 0:1, 0:32]
    s2 = acc1_ref[0, 1:2, 0:32]
    mu = s1 * inv
    var = s2 * inv - mu * mu
    a1 = g1_ref[...] * lax.rsqrt(var + 1e-5)
    c1 = be1_ref[...] - mu * a1

    y1 = y1_ref[0, 0]
    r = jnp.maximum(y1 * a1 + c1, 0.0)
    y2 = jnp.dot(r, w2_ref[...], preferred_element_type=jnp.float32)
    y2 = y2 + b2_ref[...]

    y3 = y2.reshape(sblk, _NS, 64)
    ymax_ref[0, 0] = jnp.max(y3, axis=1)
    ymin_ref[0, 0] = jnp.min(y3, axis=1)

    t1 = jnp.sum(y2, axis=0, keepdims=True)
    t2 = jnp.sum(y2 * y2, axis=0, keepdims=True)
    z64 = jnp.zeros((1, 64), jnp.float32)
    row0 = jnp.concatenate([t1, z64], axis=1)
    row1 = jnp.concatenate([t2, z64], axis=1)
    blk = jnp.concatenate(
        [row0, row1, jnp.zeros((6, 128), jnp.float32)], axis=0)

    @pl.when(first)
    def _():
        acc2_ref[...] = jnp.zeros_like(acc2_ref)

    acc2_ref[...] = acc2_ref[...] + blk[None]


def _mlp_pass2(y1, acc1, g1p, be1p, w2T, b2p, m_count, interpret=False):
    W, B, SN, _ = y1.shape
    S = SN // _NS
    grid = (W, B, S // _SBLK_MLP)
    return pl.pallas_call(
        functools.partial(_p2_body, sblk=_SBLK_MLP, m_count=m_count),
        grid=grid,
        in_specs=[
            pl.BlockSpec((1, 1, _SBLK_MLP * _NS, 32), lambda w, b, s: (w, b, s, 0)),
            pl.BlockSpec((1, 8, 128), lambda w, b, s: (w, 0, 0)),
            pl.BlockSpec((1, 32), lambda w, b, s: (0, 0)),
            pl.BlockSpec((1, 32), lambda w, b, s: (0, 0)),
            pl.BlockSpec((32, 64), lambda w, b, s: (0, 0)),
            pl.BlockSpec((1, 64), lambda w, b, s: (0, 0)),
        ],
        out_specs=[
            pl.BlockSpec((1, 1, _SBLK_MLP, 64), lambda w, b, s: (w, b, s, 0)),
            pl.BlockSpec((1, 1, _SBLK_MLP, 64), lambda w, b, s: (w, b, s, 0)),
            pl.BlockSpec((1, 8, 128), lambda w, b, s: (w, 0, 0)),
        ],
        out_shape=[
            jax.ShapeDtypeStruct((W, B, S, 64), jnp.float32),
            jax.ShapeDtypeStruct((W, B, S, 64), jnp.float32),
            jax.ShapeDtypeStruct((W, 8, 128), jnp.float32),
        ],
        interpret=interpret,
    )(y1, acc1, g1p, be1p, w2T, b2p)



def _p3_body(ymax_ref, ymin_ref, acc2_ref, g2_ref, be2_ref, out_ref,
             *, m_count):
    inv = 1.0 / float(m_count)
    s1 = acc2_ref[0, 0:1, 0:64]
    s2 = acc2_ref[0, 1:2, 0:64]
    mu = s1 * inv
    var = s2 * inv - mu * mu
    a2 = g2_ref[...] * lax.rsqrt(var + 1e-5)
    c2 = be2_ref[...] - mu * a2
    hi = ymax_ref[0, 0]
    lo = ymin_ref[0, 0]
    y = jnp.where(a2 > 0.0, hi * a2 + c2, lo * a2 + c2)
    out_ref[0, 0] = jnp.maximum(y, 0.0)


def _mlp_finalize(ymax, ymin, acc2, g2p, be2p, m_count, interpret=False):
    W, B, S, C = ymax.shape
    grid = (W, B)
    return pl.pallas_call(
        functools.partial(_p3_body, m_count=m_count),
        grid=grid,
        in_specs=[
            pl.BlockSpec((1, 1, S, C), lambda w, b: (w, b, 0, 0)),
            pl.BlockSpec((1, 1, S, C), lambda w, b: (w, b, 0, 0)),
            pl.BlockSpec((1, 8, 128), lambda w, b: (w, 0, 0)),
            pl.BlockSpec((1, 64), lambda w, b: (0, 0)),
            pl.BlockSpec((1, 64), lambda w, b: (0, 0)),
        ],
        out_specs=pl.BlockSpec((1, 1, S, C), lambda w, b: (w, b, 0, 0)),
        out_shape=jax.ShapeDtypeStruct((W, B, S, C), jnp.float32),
        interpret=interpret,
    )(ymax, ymin, acc2, g2p, be2p)



def kernel(xyz, points, center, t_list, W1, b1, g1, be1, W2, b2, g2, be2):
    B, N, _ = xyz.shape
    S = center.shape[1]
    D = points.shape[2]

    xyzT = jnp.transpose(xyz, (0, 2, 1))
    idx1, idx2 = _select_indices(t_list.reshape(B, 1, -1), xyzT, center)

    pad = jnp.zeros((B, N, 32 - 3 - D), jnp.float32)
    table = jnp.concatenate([xyz, points, pad], axis=-1).reshape(B * N, 32)
    idx_all = jnp.concatenate([idx1.reshape(-1), idx2.reshape(-1)])
    n_rows = idx_all.shape[0]

    gathered = _make_sc_gather(n_rows, 32)(table, idx_all)
    g4 = gathered.reshape(2, B, S * _NS, 32)

    w1pT = jnp.pad(W1, ((0, 0), (0, 32 - W1.shape[1]))).T
    b1p = b1[None, :]
    g1p = g1[None, :]
    be1p = be1[None, :]
    w2T = W2.T
    b2p = b2[None, :]
    g2p = g2[None, :]
    be2p = be2[None, :]

    m_count = B * S * _NS
    y1, acc1 = _mlp_pass1(g4, center, w1pT, b1p)
    ymax, ymin, acc2 = _mlp_pass2(y1, acc1, g1p, be1p, w2T, b2p, m_count)
    out = _mlp_finalize(ymax, ymin, acc2, g2p, be2p, m_count)

    res_points = jnp.transpose(out, (1, 0, 3, 2))
    cT = jnp.transpose(center, (0, 2, 1))
    res_xyz = jnp.stack([cT, cT], axis=1)
    return res_xyz, res_points

# --- scband reference (transcript-rebuilt; emitter-appended) ---
"""Pipeline reference for scband-point-net-set-abstraction-446676598905 (READ-ONLY COPY).

The authoritative reference and input builder live on the scoring server;
editing this copy changes nothing except your own understanding.
"""

import jax, jax.numpy as jnp
import numpy as np

RADIUS = 2.0
NSAMPLE = 32
WEIGHTS = [[1.0, 0.2], [0.5, 1.0]]


def index_points(points, idx):
    B = points.shape[0]
    idx_flat = idx.reshape(B, -1)
    out = jnp.take_along_axis(points, idx_flat[:, :, None], axis=1)
    return out.reshape(idx.shape + (points.shape[-1],))


def square_distance(src, dst, weight):
    s2 = src[:, :, :2]; d2 = dst[:, :, :2]
    dist_xy = -2.0 * jnp.matmul(s2, jnp.transpose(d2, (0, 2, 1)))
    dist_xy = dist_xy + jnp.sum(s2 ** 2, -1)[:, :, None]
    dist_xy = dist_xy + jnp.sum(d2 ** 2, -1)[:, None, :]
    st = src[:, :, 2:3]; dt = dst[:, :, 2:3]
    dist_t = -2.0 * jnp.matmul(st, jnp.transpose(dt, (0, 2, 1)))
    dist_t = dist_t + jnp.sum(st ** 2, -1)[:, :, None]
    dist_t = dist_t + jnp.sum(dt ** 2, -1)[:, None, :]
    s3 = src[:, :, :3]; d3 = dst[:, :, :3]
    dist_ori = -2.0 * jnp.matmul(s3, jnp.transpose(d3, (0, 2, 1)))
    dist_ori = dist_ori + jnp.sum(s3 ** 2, -1)[:, :, None]
    dist_ori = dist_ori + jnp.sum(d3 ** 2, -1)[:, None, :]
    dist = dist_xy * weight[0] + dist_t * weight[1]
    return dist_t, dist_xy, dist, dist_ori


def query_ball_point(radius, nsample, xyz, new_xyz, t_list, weight):
    B, N, _ = xyz.shape
    S = new_xyz.shape[1]
    distances = t_list[:, 1:] - t_list[:, :-1]
    max_t = jnp.sort(distances, axis=-1)[:, ::-1]
    max_t = (max_t[:, 0] ** 2)[:, None, None]
    dist_t, dist_xy, dist, dist_ori = square_distance(new_xyz, xyz, weight)
    group_idx_ori = jnp.argsort(dist_ori, axis=-1)
    group_first = jnp.broadcast_to(group_idx_ori[:, :, 0:1], (B, S, nsample))
    dist = jnp.where(dist_xy > radius, float(N), dist)
    dist = jnp.where(dist_t > max_t, float(N), dist)
    sort_dis = jnp.sort(dist, axis=-1)
    group_idx = jnp.argsort(dist, axis=-1)
    mask = sort_dis[:, :, :nsample] == float(N)
    group_idx = group_idx[:, :, :nsample]
    group_idx = jnp.where(mask, group_first, group_idx)
    return group_idx


def sample_and_group(radius, nsample, xyz, points, new_xyz, t_list, weight):
    B, N, C = xyz.shape
    S = new_xyz.shape[1]
    idx = query_ball_point(radius, nsample, xyz, new_xyz, t_list, weight)
    grouped_xyz = index_points(xyz, idx)
    grouped_xyz_norm = grouped_xyz - new_xyz.reshape(B, S, 1, C)
    grouped_points = index_points(points, idx)
    new_points = jnp.concatenate([grouped_xyz_norm, grouped_points], axis=-1)
    return new_xyz, new_points


def conv_bn_relu(x, W, b, g, be):
    y = jnp.einsum('bchw,oc->bohw', x, W) + b[None, :, None, None]
    mean = jnp.mean(y, axis=(0, 2, 3), keepdims=True)
    var = jnp.mean((y - mean) ** 2, axis=(0, 2, 3), keepdims=True)
    y = (y - mean) / jnp.sqrt(var + 1e-5)
    y = y * g[None, :, None, None] + be[None, :, None, None]
    return jax.nn.relu(y)


def setup_inputs(seed: int = 0):
    key = jax.random.key(seed)
    ks = jax.random.split(key, 12)
    B, N, S, D = 4, 4096, 1024, 16
    xyz = jax.random.normal(ks[0], (B, N, 3), dtype=jnp.float32)
    points = jax.random.normal(ks[1], (B, N, D), dtype=jnp.float32)
    center = jax.random.normal(ks[2], (B, S, 3), dtype=jnp.float32)
    t_list = jnp.sort(jax.random.uniform(ks[3], (B, 16), dtype=jnp.float32), axis=-1)
    W1 = jax.random.normal(ks[4], (32, 19), dtype=jnp.float32) * 0.1
    b1 = jnp.zeros((32,), dtype=jnp.float32)
    g1 = jnp.ones((32,), dtype=jnp.float32)
    be1 = jnp.zeros((32,), dtype=jnp.float32)
    W2 = jax.random.normal(ks[5], (64, 32), dtype=jnp.float32) * 0.1
    b2 = jnp.zeros((64,), dtype=jnp.float32)
    g2 = jnp.ones((64,), dtype=jnp.float32)
    be2 = jnp.zeros((64,), dtype=jnp.float32)
    return {"xyz": xyz, "points": points, "center": center, "t_list": t_list,
            "W1": W1, "b1": b1, "g1": g1, "be1": be1,
            "W2": W2, "b2": b2, "g2": g2, "be2": be2}


def reference(xyz, points, center, t_list, W1, b1, g1, be1, W2, b2, g2, be2):
    res_points = []
    res_xyz = []
    for w in WEIGHTS:
        new_xyz, new_points = sample_and_group(RADIUS, NSAMPLE, xyz, points, center, t_list, w)
        new_points = jnp.transpose(new_points, (0, 3, 2, 1))
        new_points = conv_bn_relu(new_points, W1, b1, g1, be1)
        new_points = conv_bn_relu(new_points, W2, b2, g2, be2)
        new_points = jnp.max(new_points, axis=2)
        res_xyz.append(jnp.transpose(new_xyz, (0, 2, 1)))
        res_points.append(new_points)
    return (jnp.stack(res_xyz, 1), jnp.stack(res_points, 1))

if __name__ == "__main__":
    import jax
    _d = setup_inputs()
    print(jax.jit(kernel)(*tuple(_d.values())))

</pallas_src>

<mosaic_0001>
#map = affine_map<(d0, d1) -> (0, 0)>
#map1 = affine_map<(d0, d1) -> (0)>
module attributes {stable_mosaic.version = 14 : i64} {
  func.func @gather_k(%arg0: i32, %arg1: i32, %arg2: memref<16384x32xf32, #tpu.memory_space<hbm>>, %arg3: memref<262144xi32, #tpu.memory_space<hbm>>, %arg4: memref<262144x32xf32, #tpu.memory_space<hbm>>, %arg5: memref<128xi32, #tpu.memory_space<vmem>>, %arg6: memref<128x32xf32, #tpu.memory_space<vmem>>, %arg7: memref<!tpu.dma_semaphore, #tpu.memory_space<semaphore_mem>>) attributes {dimension_semantics = [#tpu.dimension_semantics<core_parallel>, #tpu.dimension_semantics<subcore_parallel>], iteration_bounds = array<i64: 2, 16>, scalar_prefetch = 0 : i64, scratch_operands = 3 : i64, tpu.core_type = #tpu.core_type<sc_vector_subcore>, window_params = [{transform_indices = #map}, {transform_indices = #map1}, {transform_indices = #map}]} {
    %mul3A = arith.constant 2 : i32
    %mul3A_0 = arith.muli %arg1, %mul3A : i32
    %add3A = arith.addi %mul3A_0, %arg0 : i32
    %mul3A_1 = arith.constant 8192 : i32
    %mul3A_2 = arith.muli %add3A, %mul3A_1 : i32
    %scan3A = arith.constant 0 : i32
    %scan3A_3 = arith.constant 0 : i32
    %scan3A_4 = arith.constant 64 : i32
    %scan3A_5 = arith.addi %scan3A_3, %scan3A_4 : i32
    %scan3A_6 = arith.constant 1 : i32
    %scan3A_7 = scf.for %scan3A_9 = %scan3A_3 to %scan3A_5 step %scan3A_6 iter_args(%scan3A_10 = %scan3A) -> (i32)  : i32 {
      %mul3A_11 = arith.constant 128 : i32
      %mul3A_12 = arith.muli %scan3A_9, %mul3A_11 : i32
      %add3A_13 = arith.addi %mul3A_2, %mul3A_12 : i32
      "tpu.region"() ({
        %run_scoped3A = tpu.sem_alloc : memref<!tpu.dma_semaphore, #tpu.memory_space<semaphore_mem>>
        %dma_start3A_19 = tpu.memref_slice %arg3[%add3A_13] : memref<262144xi32, #tpu.memory_space<hbm>> -> memref<128xi32, #tpu.memory_space<hbm>>
        %dma_start3A_20 = tpu.memref_slice %arg3[%add3A_13] : memref<262144xi32, #tpu.memory_space<hbm>> -> memref<128xi32, #tpu.memory_space<hbm>>
        tpu.enqueue_dma source(%dma_start3A_20 : memref<128xi32, #tpu.memory_space<hbm>>) target(%arg5 : memref<128xi32, #tpu.memory_space<vmem>>) target_semaphore(%run_scoped3A : memref<!tpu.dma_semaphore, #tpu.memory_space<semaphore_mem>>)
        %dma_wait3A_21 = tpu.memref_slice %arg3[%add3A_13] : memref<262144xi32, #tpu.memory_space<hbm>> -> memref<128xi32, #tpu.memory_space<hbm>>
        %dma_wait3A_22 = tpu.memref_slice %arg3[%add3A_13] : memref<262144xi32, #tpu.memory_space<hbm>> -> memref<128xi32, #tpu.memory_space<hbm>>
        tpu.wait_dma2 semaphore(%run_scoped3A : memref<!tpu.dma_semaphore, #tpu.memory_space<semaphore_mem>>) src(%dma_wait3A_22 : memref<128xi32, #tpu.memory_space<hbm>>) dst(%arg5 : memref<128xi32, #tpu.memory_space<vmem>>)
        tpu.yield
      }) : () -> ()
      %dma_start3A = arith.constant 0 : i32
      %dma_start3A_14 = arith.constant 0 : i32
      %dma_start3A_15 = tpu.memref_slice %arg2[%dma_start3A, %dma_start3A_14] : memref<16384x32xf32, #tpu.memory_space<hbm>> -> memref<16384x32xf32, #tpu.memory_space<hbm>>
      tpu.enqueue_indirect_dma source(%dma_start3A_15 : memref<16384x32xf32, #tpu.memory_space<hbm>>) target(%arg6 : memref<128x32xf32, #tpu.memory_space<vmem>>) offsets(%arg5 : memref<128xi32, #tpu.memory_space<vmem>>) semaphore(%arg7 : memref<!tpu.dma_semaphore, #tpu.memory_space<semaphore_mem>>)
      %dma_wait3A = arith.constant 0 : i32
      %dma_wait3A_16 = arith.constant 0 : i32
      %dma_wait3A_17 = tpu.memref_slice %arg2[%dma_wait3A, %dma_wait3A_16] : memref<16384x32xf32, #tpu.memory_space<hbm>> -> memref<16384x32xf32, #tpu.memory_space<hbm>>
      tpu.wait_indirect_dma semaphore(%arg7 : memref<!tpu.dma_semaphore, #tpu.memory_space<semaphore_mem>>) src(%dma_wait3A_17 : memref<16384x32xf32, #tpu.memory_space<hbm>>) dst(%arg6 : memref<128x32xf32, #tpu.memory_space<vmem>>)
      "tpu.region"() ({
        %run_scoped3A = tpu.sem_alloc : memref<!tpu.dma_semaphore, #tpu.memory_space<semaphore_mem>>
        %dma_start3A_19 = arith.constant 0 : i32
        %dma_start3A_20 = tpu.memref_slice %arg4[%add3A_13, %dma_start3A_19] : memref<262144x32xf32, #tpu.memory_space<hbm>> -> memref<128x32xf32, #tpu.memory_space<hbm>>
        %dma_start3A_21 = arith.constant 0 : i32
        %dma_start3A_22 = tpu.memref_slice %arg4[%add3A_13, %dma_start3A_21] : memref<262144x32xf32, #tpu.memory_space<hbm>> -> memref<128x32xf32, #tpu.memory_space<hbm>>
        tpu.enqueue_dma source(%arg6 : memref<128x32xf32, #tpu.memory_space<vmem>>) target(%dma_start3A_22 : memref<128x32xf32, #tpu.memory_space<hbm>>) target_semaphore(%run_scoped3A : memref<!tpu.dma_semaphore, #tpu.memory_space<semaphore_mem>>)
        %dma_wait3A_23 = arith.constant 0 : i32
        %dma_wait3A_24 = tpu.memref_slice %arg4[%add3A_13, %dma_wait3A_23] : memref<262144x32xf32, #tpu.memory_space<hbm>> -> memref<128x32xf32, #tpu.memory_space<hbm>>
        %dma_wait3A_25 = arith.constant 0 : i32
        %dma_wait3A_26 = tpu.memref_slice %arg4[%add3A_13, %dma_wait3A_25] : memref<262144x32xf32, #tpu.memory_space<hbm>> -> memref<128x32xf32, #tpu.memory_space<hbm>>
        tpu.wait_dma2 semaphore(%run_scoped3A : memref<!tpu.dma_semaphore, #tpu.memory_space<semaphore_mem>>) src(%arg6 : memref<128x32xf32, #tpu.memory_space<vmem>>) dst(%dma_wait3A_26 : memref<128x32xf32, #tpu.memory_space<hbm>>)
        tpu.yield
      }) : () -> ()
      %scan3A_18 = arith.constant 0 : i32
      scf.yield %scan3A_18 : i32
    }
    %scan3A_8 = arith.constant 64 : i32
    return
  }
}

module attributes {stable_mosaic.version = 14 : i64} {
  func.func @_sel_body(%arg0: i32, %arg1: i32, %arg2: memref<1x1x16xf32, #tpu.memory_space<vmem>>, %arg3: memref<1x3x4096xf32, #tpu.memory_space<vmem>>, %arg4: memref<1x128x3xf32, #tpu.memory_space<vmem>>, %arg5: memref<1x128x32xi32, #tpu.memory_space<vmem>>, %arg6: memref<1x128x32xi32, #tpu.memory_space<vmem>>) attributes {dimension_semantics = [#tpu.dimension_semantics<arbitrary>, #tpu.dimension_semantics<arbitrary>], iteration_bounds = array<i64: 4, 8>, scalar_prefetch = 0 : i64, scratch_operands = 0 : i64, tpu.core_type = #tpu.core_type<tc>, window_params = [{transform_indices = @transform_0, window_bounds = array<i64: 1, 1, 16>}, {transform_indices = @transform_1, window_bounds = array<i64: 1, 3, 4096>}, {transform_indices = @transform_2, window_bounds = array<i64: 1, 128, 3>}, {transform_indices = @transform_3, window_bounds = array<i64: 1, 128, 32>}, {transform_indices = @transform_4, window_bounds = array<i64: 1, 128, 32>}]} {
    %get3A = arith.constant 0 : index
    %get3A_0 = arith.constant 0 : index
    %get3A_1 = arith.constant 0 : index
    %get3A_2 = vector.load %arg4[%get3A, %get3A_0, %get3A_1] : memref<1x128x3xf32, #tpu.memory_space<vmem>>, vector<1x128x3xf32>
    %get3A_3 = vector.shape_cast %get3A_2 : vector<1x128x3xf32> to vector<128x3xf32>
    %get3A_4 = arith.constant 0 : index
    %get3A_5 = arith.constant 0 : index
    %get3A_6 = arith.constant 0 : index
    %get3A_7 = vector.load %arg3[%get3A_4, %get3A_5, %get3A_6] : memref<1x3x4096xf32, #tpu.memory_space<vmem>>, vector<1x3x4096xf32>
    %get3A_8 = vector.shape_cast %get3A_7 : vector<1x3x4096xf32> to vector<3x4096xf32>
    %get3A_9 = arith.constant 0 : index
    %get3A_10 = arith.constant 0 : index
    %get3A_11 = arith.constant 0 : index
    %get3A_12 = vector.load %arg2[%get3A_9, %get3A_10, %get3A_11] : memref<1x1x16xf32, #tpu.memory_space<vmem>>, vector<1x1x16xf32>
    %get3A_13 = vector.shape_cast %get3A_12 : vector<1x1x16xf32> to vector<1x16xf32>
    %slice3A = vector.extract_strided_slice %get3A_13 {offsets = [0, 1], sizes = [1, 15], strides = [1, 1]} : vector<1x16xf32> to vector<1x15xf32>
    %slice3A_14 = vector.extract_strided_slice %get3A_13 {offsets = [0, 0], sizes = [1, 15], strides = [1, 1]} : vector<1x16xf32> to vector<1x15xf32>
    %sub3A = arith.subf %slice3A, %slice3A_14 : vector<1x15xf32>
    %reduce_max3A = vector.shape_cast %sub3A : vector<1x15xf32> to vector<1x1x15xf32>
    %reduce_max3A_15 = arith.constant dense<0xFF800000> : vector<1xf32>
    %reduce_max3A_16 = vector.multi_reduction <maximumf>, %reduce_max3A, %reduce_max3A_15 [1, 2] : vector<1x1x15xf32> to vector<1xf32>
    %reduce_max3A_17 = vector.shape_cast %reduce_max3A_16 : vector<1xf32> to vector<1x1x1xf32>
    %reduce_max3A_18 = vector.extract %reduce_max3A_17[0, 0, 0] : f32 from vector<1x1x1xf32>
    %integer_pow3A = arith.mulf %reduce_max3A_18, %reduce_max3A_18 : f32
    %convert_element_type3A = arith.truncf %get3A_3 : vector<128x3xf32> to vector<128x3xbf16>
    %convert_element_type3A_19 = arith.extf %convert_element_type3A : vector<128x3xbf16> to vector<128x3xf32>
    %convert_element_type3A_20 = arith.truncf %get3A_8 : vector<3x4096xf32> to vector<3x4096xbf16>
    %convert_element_type3A_21 = arith.extf %convert_element_type3A_20 : vector<3x4096xbf16> to vector<3x4096xf32>
    %slice3A_22 = vector.extract_strided_slice %get3A_3 {offsets = [0, 0], sizes = [128, 2], strides = [1, 1]} : vector<128x3xf32> to vector<128x2xf32>
    %integer_pow3A_23 = arith.mulf %slice3A_22, %slice3A_22 : vector<128x2xf32>
    %reduce_sum3A = arith.constant dense<0.000000e+00> : vector<128xf32>
    %reduce_sum3A_24 = vector.multi_reduction <add>, %integer_pow3A_23, %reduce_sum3A [1] : vector<128x2xf32> to vector<128xf32>
    %broadcast_in_dim3A = vector.shape_cast %reduce_sum3A_24 : vector<128xf32> to vector<128x1xf32>
    %slice3A_25 = vector.extract_strided_slice %get3A_8 {offsets = [0, 0], sizes = [2, 4096], strides = [1, 1]} : vector<3x4096xf32> to vector<2x4096xf32>
    %integer_pow3A_26 = arith.mulf %slice3A_25, %slice3A_25 : vector<2x4096xf32>
    %reduce_sum3A_27 = arith.constant dense<0.000000e+00> : vector<4096xf32>
    %reduce_sum3A_28 = vector.multi_reduction <add>, %integer_pow3A_26, %reduce_sum3A_27 [0] : vector<2x4096xf32> to vector<4096xf32>
    %broadcast_in_dim3A_29 = vector.shape_cast %reduce_sum3A_28 : vector<4096xf32> to vector<1x4096xf32>
    %slice3A_30 = vector.extract_strided_slice %convert_element_type3A_19 {offsets = [0, 0], sizes = [128, 1], strides = [1, 1]} : vector<128x3xf32> to vector<128x1xf32>
    %slice3A_31 = vector.extract_strided_slice %convert_element_type3A_21 {offsets = [0, 0], sizes = [1, 4096], strides = [1, 1]} : vector<3x4096xf32> to vector<1x4096xf32>
    %mul3A = vector.broadcast %slice3A_30 : vector<128x1xf32> to vector<128x4096xf32>
    %mul3A_32 = vector.broadcast %slice3A_31 : vector<1x4096xf32> to vector<128x4096xf32>
    %mul3A_33 = arith.mulf %mul3A, %mul3A_32 : vector<128x4096xf32>
    %slice3A_34 = vector.extract_strided_slice %convert_element_type3A_19 {offsets = [0, 1], sizes = [128, 1], strides = [1, 1]} : vector<128x3xf32> to vector<128x1xf32>
    %slice3A_35 = vector.extract_strided_slice %convert_element_type3A_21 {offsets = [1, 0], sizes = [1, 4096], strides = [1, 1]} : vector<3x4096xf32> to vector<1x4096xf32>
    %mul3A_36 = vector.broadcast %slice3A_34 : vector<128x1xf32> to vector<128x4096xf32>
    %mul3A_37 = vector.broadcast %slice3A_35 : vector<1x4096xf32> to vector<128x4096xf32>
    %mul3A_38 = arith.mulf %mul3A_36, %mul3A_37 : vector<128x4096xf32>
    %add3A = arith.addf %mul3A_33, %mul3A_38 : vector<128x4096xf32>
    %mul3A_39 = arith.constant -2.000000e+00 : f32
    %mul3A_40 = vector.broadcast %mul3A_39 : f32 to vector<128x4096xf32>
    %mul3A_41 = arith.mulf %mul3A_40, %add3A : vector<128x4096xf32>
    %add3A_42 = vector.broadcast %broadcast_in_dim3A : vector<128x1xf32> to vector<128x4096xf32>
    %add3A_43 = arith.addf %mul3A_41, %add3A_42 : vector<128x4096xf32>
    %add3A_44 = vector.broadcast %broadcast_in_dim3A_29 : vector<1x4096xf32> to vector<128x4096xf32>
    %add3A_45 = arith.addf %add3A_43, %add3A_44 : vector<128x4096xf32>
    %slice3A_46 = vector.extract_strided_slice %get3A_3 {offsets = [0, 2], sizes = [128, 1], strides = [1, 1]} : vector<128x3xf32> to vector<128x1xf32>
    %slice3A_47 = vector.extract_strided_slice %get3A_8 {offsets = [2, 0], sizes = [1, 4096], strides = [1, 1]} : vector<3x4096xf32> to vector<1x4096xf32>
    %mul3A_48 = vector.broadcast %slice3A_46 : vector<128x1xf32> to vector<128x4096xf32>
    %mul3A_49 = vector.broadcast %slice3A_47 : vector<1x4096xf32> to vector<128x4096xf32>
    %mul3A_50 = arith.mulf %mul3A_48, %mul3A_49 : vector<128x4096xf32>
    %mul3A_51 = arith.constant -2.000000e+00 : f32
    %mul3A_52 = vector.broadcast %mul3A_51 : f32 to vector<128x4096xf32>
    %mul3A_53 = arith.mulf %mul3A_52, %mul3A_50 : vector<128x4096xf32>
    %integer_pow3A_54 = arith.mulf %slice3A_46, %slice3A_46 : vector<128x1xf32>
    %add3A_55 = vector.broadcast %integer_pow3A_54 : vector<128x1xf32> to vector<128x4096xf32>
    %add3A_56 = arith.addf %mul3A_53, %add3A_55 : vector<128x4096xf32>
    %integer_pow3A_57 = arith.mulf %slice3A_47, %slice3A_47 : vector<1x4096xf32>
    %add3A_58 = vector.broadcast %integer_pow3A_57 : vector<1x4096xf32> to vector<128x4096xf32>
    %add3A_59 = arith.addf %add3A_56, %add3A_58 : vector<128x4096xf32>
    %slice3A_60 = vector.extract_strided_slice %convert_element_type3A_19 {offsets = [0, 0], sizes = [128, 1], strides = [1, 1]} : vector<128x3xf32> to vector<128x1xf32>
    %slice3A_61 = vector.extract_strided_slice %convert_element_type3A_21 {offsets = [0, 0], sizes = [1, 4096], strides = [1, 1]} : vector<3x4096xf32> to vector<1x4096xf32>
    %mul3A_62 = vector.broadcast %slice3A_60 : vector<128x1xf32> to vector<128x4096xf32>
    %mul3A_63 = vector.broadcast %slice3A_61 : vector<1x4096xf32> to vector<128x4096xf32>
    %mul3A_64 = arith.mulf %mul3A_62, %mul3A_63 : vector<128x4096xf32>
    %slice3A_65 = vector.extract_strided_slice %convert_element_type3A_19 {offsets = [0, 1], sizes = [128, 1], strides = [1, 1]} : vector<128x3xf32> to vector<128x1xf32>
    %slice3A_66 = vector.extract_strided_slice %convert_element_type3A_21 {offsets = [1, 0], sizes = [1, 4096], strides = [1, 1]} : vector<3x4096xf32> to vector<1x4096xf32>
    %mul3A_67 = vector.broadcast %slice3A_65 : vector<128x1xf32> to vector<128x4096xf32>
    %mul3A_68 = vector.broadcast %slice3A_66 : vector<1x4096xf32> to vector<128x4096xf32>
    %mul3A_69 = arith.mulf %mul3A_67, %mul3A_68 : vector<128x4096xf32>
    %add3A_70 = arith.addf %mul3A_64, %mul3A_69 : vector<128x4096xf32>
    %slice3A_71 = vector.extract_strided_slice %convert_element_type3A_19 {offsets = [0, 2], sizes = [128, 1], strides = [1, 1]} : vector<128x3xf32> to vector<128x1xf32>
    %slice3A_72 = vector.extract_strided_slice %convert_element_type3A_21 {offsets = [2, 0], sizes = [1, 4096], strides = [1, 1]} : vector<3x4096xf32> to vector<1x4096xf32>
    %mul3A_73 = vector.broadcast %slice3A_71 : vector<128x1xf32> to vector<128x4096xf32>
    %mul3A_74 = vector.broadcast %slice3A_72 : vector<1x4096xf32> to vector<128x4096xf32>
    %mul3A_75 = arith.mulf %mul3A_73, %mul3A_74 : vector<128x4096xf32>
    %add3A_76 = arith.addf %add3A_70, %mul3A_75 : vector<128x4096xf32>
    %mul3A_77 = arith.constant -2.000000e+00 : f32
    %mul3A_78 = vector.broadcast %mul3A_77 : f32 to vector<128x4096xf32>
    %mul3A_79 = arith.mulf %mul3A_78, %add3A_76 : vector<128x4096xf32>
    %integer_pow3A_80 = arith.mulf %get3A_3, %get3A_3 : vector<128x3xf32>
    %reduce_sum3A_81 = arith.constant dense<0.000000e+00> : vector<128xf32>
    %reduce_sum3A_82 = vector.multi_reduction <add>, %integer_pow3A_80, %reduce_sum3A_81 [1] : vector<128x3xf32> to vector<128xf32>
    %broadcast_in_dim3A_83 = vector.shape_cast %reduce_sum3A_82 : vector<128xf32> to vector<128x1xf32>
    %add3A_84 = vector.broadcast %broadcast_in_dim3A_83 : vector<128x1xf32> to vector<128x4096xf32>
    %add3A_85 = arith.addf %mul3A_79, %add3A_84 : vector<128x4096xf32>
    %integer_pow3A_86 = arith.mulf %get3A_8, %get3A_8 : vector<3x4096xf32>
    %reduce_sum3A_87 = arith.constant dense<0.000000e+00> : vector<4096xf32>
    %reduce_sum3A_88 = vector.multi_reduction <add>, %integer_pow3A_86, %reduce_sum3A_87 [0] : vector<3x4096xf32> to vector<4096xf32>
    %broadcast_in_dim3A_89 = vector.shape_cast %reduce_sum3A_88 : vector<4096xf32> to vector<1x4096xf32>
    %add3A_90 = vector.broadcast %broadcast_in_dim3A_89 : vector<1x4096xf32> to vector<128x4096xf32>
    %add3A_91 = arith.addf %add3A_85, %add3A_90 : vector<128x4096xf32>
    %le3A = arith.constant 2.000000e+00 : f32
    %le3A_92 = vector.broadcast %le3A : f32 to vector<128x4096xf32>
    %le3A_93 = arith.cmpf ole, %add3A_45, %le3A_92 : vector<128x4096xf32>
    %le3A_94 = vector.broadcast %integer_pow3A : f32 to vector<128x4096xf32>
    %le3A_95 = arith.cmpf ole, %add3A_59, %le3A_94 : vector<128x4096xf32>
    %and3A = arith.andi %le3A_93, %le3A_95 : vector<128x4096xi1>
    %iota3A = tpu.iota {dimensions = array<i32: 1>} : vector<128x4096xi32>
    %reduce_min3A = arith.constant dense<0x7F800000> : vector<128xf32>
    %reduce_min3A_96 = vector.multi_reduction <minimumf>, %add3A_91, %reduce_min3A [1] : vector<128x4096xf32> to vector<128xf32>
    %broadcast_in_dim3A_97 = vector.shape_cast %reduce_min3A_96 : vector<128xf32> to vector<128x1xf32>
    %eq3A = vector.broadcast %broadcast_in_dim3A_97 : vector<128x1xf32> to vector<128x4096xf32>
    %eq3A_98 = arith.cmpf oeq, %add3A_91, %eq3A : vector<128x4096xf32>
    %jit3A = arith.constant 4096 : i32
    %broadcast_in_dim3A_99 = vector.broadcast %jit3A : i32 to vector<128x4096xi32>
    %select_n3A = arith.select %eq3A_98, %iota3A, %broadcast_in_dim3A_99 : vector<128x4096xi1>, vector<128x4096xi32>
    %reduce_min3A_100 = arith.constant dense<2147483647> : vector<128xi32>
    %reduce_min3A_101 = vector.multi_reduction <minsi>, %select_n3A, %reduce_min3A_100 [1] : vector<128x4096xi32> to vector<128xi32>
    %broadcast_in_dim3A_102 = vector.shape_cast %reduce_min3A_101 : vector<128xi32> to vector<128x1xi32>
    %mul3A_103 = arith.constant 4096 : i32
    %mul3A_104 = arith.muli %arg0, %mul3A_103 : i32
    %mul3A_105 = arith.constant 1.000000e+00 : f32
    %mul3A_106 = vector.broadcast %mul3A_105 : f32 to vector<128x4096xf32>
    %mul3A_107 = arith.mulf %add3A_45, %mul3A_106 : vector<128x4096xf32>
    %mul3A_108 = arith.constant 2.000000e-01 : f32
    %mul3A_109 = vector.broadcast %mul3A_108 : f32 to vector<128x4096xf32>
    %mul3A_110 = arith.mulf %add3A_59, %mul3A_109 : vector<128x4096xf32>
    %add3A_111 = arith.addf %mul3A_107, %mul3A_110 : vector<128x4096xf32>
    %jit3A_112 = arith.constant 1.000000e+09 : f32
    %broadcast_in_dim3A_113 = vector.broadcast %jit3A_112 : f32 to vector<128x4096xf32>
    %select_n3A_114 = arith.select %and3A, %add3A_111, %broadcast_in_dim3A_113 : vector<128x4096xi1>, vector<128x4096xf32>
    %mul3A_115 = arith.constant 5.000000e-01 : f32
    %mul3A_116 = vector.broadcast %mul3A_115 : f32 to vector<128x4096xf32>
    %mul3A_117 = arith.mulf %add3A_45, %mul3A_116 : vector<128x4096xf32>
    %mul3A_118 = arith.constant 1.000000e+00 : f32
    %mul3A_119 = vector.broadcast %mul3A_118 : f32 to vector<128x4096xf32>
    %mul3A_120 = arith.mulf %add3A_59, %mul3A_119 : vector<128x4096xf32>
    %add3A_121 = arith.addf %mul3A_117, %mul3A_120 : vector<128x4096xf32>
    %jit3A_122 = arith.constant 1.000000e+09 : f32
    %broadcast_in_dim3A_123 = vector.broadcast %jit3A_122 : f32 to vector<128x4096xf32>
    %select_n3A_124 = arith.select %and3A, %add3A_121, %broadcast_in_dim3A_123 : vector<128x4096xi1>, vector<128x4096xf32>
    %broadcast_in_dim3A_125 = arith.constant 0 : i32
    %broadcast_in_dim3A_126 = vector.broadcast %broadcast_in_dim3A_125 : i32 to vector<128x32xi32>
    %scan3A = arith.constant 0 : i32
    %scan3A_127 = arith.constant 32 : i32
    %scan3A_128 = arith.addi %scan3A, %scan3A_127 : i32
    %scan3A_129 = arith.constant 1 : i32
    %scan3A_130:4 = scf.for %scan3A_143 = %scan3A to %scan3A_128 step %scan3A_129 iter_args(%scan3A_144 = %select_n3A_114, %scan3A_145 = %select_n3A_124, %scan3A_146 = %broadcast_in_dim3A_126, %scan3A_147 = %broadcast_in_dim3A_126) -> (vector<128x4096xf32>, vector<128x4096xf32>, vector<128x32xi32>, vector<128x32xi32>)  : i32 {
      %iota3A_148 = tpu.iota {dimensions = array<i32: 1>} : vector<128x4096xi32>
      %iota3A_149 = tpu.iota {dimensions = array<i32: 1>} : vector<128x32xi32>
      %reduce_min3A_150 = arith.constant dense<0x7F800000> : vector<128xf32>
      %reduce_min3A_151 = vector.multi_reduction <minimumf>, %scan3A_144, %reduce_min3A_150 [1] : vector<128x4096xf32> to vector<128xf32>
      %broadcast_in_dim3A_152 = vector.shape_cast %reduce_min3A_151 : vector<128xf32> to vector<128x1xf32>
      %reduce_min3A_153 = arith.constant dense<0x7F800000> : vector<128xf32>
      %reduce_min3A_154 = vector.multi_reduction <minimumf>, %scan3A_145, %reduce_min3A_153 [1] : vector<128x4096xf32> to vector<128xf32>
      %broadcast_in_dim3A_155 = vector.shape_cast %reduce_min3A_154 : vector<128xf32> to vector<128x1xf32>
      %eq3A_156 = vector.broadcast %broadcast_in_dim3A_152 : vector<128x1xf32> to vector<128x4096xf32>
      %eq3A_157 = arith.cmpf oeq, %scan3A_144, %eq3A_156 : vector<128x4096xf32>
      %jit3A_158 = arith.constant 4096 : i32
      %broadcast_in_dim3A_159 = vector.broadcast %jit3A_158 : i32 to vector<128x4096xi32>
      %select_n3A_160 = arith.select %eq3A_157, %iota3A_148, %broadcast_in_dim3A_159 : vector<128x4096xi1>, vector<128x4096xi32>
      %reduce_min3A_161 = arith.constant dense<2147483647> : vector<128xi32>
      %reduce_min3A_162 = vector.multi_reduction <minsi>, %select_n3A_160, %reduce_min3A_161 [1] : vector<128x4096xi32> to vector<128xi32>
      %broadcast_in_dim3A_163 = vector.shape_cast %reduce_min3A_162 : vector<128xi32> to vector<128x1xi32>
      %eq3A_164 = vector.broadcast %broadcast_in_dim3A_155 : vector<128x1xf32> to vector<128x4096xf32>
      %eq3A_165 = arith.cmpf oeq, %scan3A_145, %eq3A_164 : vector<128x4096xf32>
      %jit3A_166 = arith.constant 4096 : i32
      %broadcast_in_dim3A_167 = vector.broadcast %jit3A_166 : i32 to vector<128x4096xi32>
      %select_n3A_168 = arith.select %eq3A_165, %iota3A_148, %broadcast_in_dim3A_167 : vector<128x4096xi1>, vector<128x4096xi32>
      %reduce_min3A_169 = arith.constant dense<2147483647> : vector<128xi32>
      %reduce_min3A_170 = vector.multi_reduction <minsi>, %select_n3A_168, %reduce_min3A_169 [1] : vector<128x4096xi32> to vector<128xi32>
      %broadcast_in_dim3A_171 = vector.shape_cast %reduce_min3A_170 : vector<128xi32> to vector<128x1xi32>
      %ge3A = arith.constant 1.000000e+09 : f32
      %ge3A_172 = vector.broadcast %ge3A : f32 to vector<128x1xf32>
      %ge3A_173 = arith.cmpf oge, %broadcast_in_dim3A_152, %ge3A_172 : vector<128x1xf32>
      %select_n3A_174 = arith.select %ge3A_173, %broadcast_in_dim3A_102, %broadcast_in_dim3A_163 : vector<128x1xi1>, vector<128x1xi32>
      %ge3A_175 = arith.constant 1.000000e+09 : f32
      %ge3A_176 = vector.broadcast %ge3A_175 : f32 to vector<128x1xf32>
      %ge3A_177 = arith.cmpf oge, %broadcast_in_dim3A_155, %ge3A_176 : vector<128x1xf32>
      %select_n3A_178 = arith.select %ge3A_177, %broadcast_in_dim3A_102, %broadcast_in_dim3A_171 : vector<128x1xi1>, vector<128x1xi32>
      %eq3A_179 = vector.broadcast %scan3A_143 : i32 to vector<128x32xi32>
      %eq3A_180 = arith.cmpi eq, %iota3A_149, %eq3A_179 : vector<128x32xi32>
      %add3A_181 = vector.broadcast %mul3A_104 : i32 to vector<128x1xi32>
      %add3A_182 = arith.addi %select_n3A_174, %add3A_181 : vector<128x1xi32>
      %broadcast_in_dim3A_183 = vector.shape_cast %add3A_182 : vector<128x1xi32> to vector<128x1xi32>
      %broadcast_in_dim3A_184 = vector.broadcast %broadcast_in_dim3A_183 : vector<128x1xi32> to vector<128x32xi32>
      %select_n3A_185 = arith.select %eq3A_180, %broadcast_in_dim3A_184, %scan3A_146 : vector<128x32xi1>, vector<128x32xi32>
      %eq3A_186 = vector.broadcast %scan3A_143 : i32 to vector<128x32xi32>
      %eq3A_187 = arith.cmpi eq, %iota3A_149, %eq3A_186 : vector<128x32xi32>
      %add3A_188 = vector.broadcast %mul3A_104 : i32 to vector<128x1xi32>
      %add3A_189 = arith.addi %select_n3A_178, %add3A_188 : vector<128x1xi32>
      %broadcast_in_dim3A_190 = vector.shape_cast %add3A_189 : vector<128x1xi32> to vector<128x1xi32>
      %broadcast_in_dim3A_191 = vector.broadcast %broadcast_in_dim3A_190 : vector<128x1xi32> to vector<128x32xi32>
      %select_n3A_192 = arith.select %eq3A_187, %broadcast_in_dim3A_191, %scan3A_147 : vector<128x32xi1>, vector<128x32xi32>
      %eq3A_193 = vector.broadcast %broadcast_in_dim3A_163 : vector<128x1xi32> to vector<128x4096xi32>
      %eq3A_194 = arith.cmpi eq, %iota3A_148, %eq3A_193 : vector<128x4096xi32>
      %jit3A_195 = arith.constant 1.000000e+09 : f32
      %broadcast_in_dim3A_196 = vector.broadcast %jit3A_195 : f32 to vector<128x4096xf32>
      %select_n3A_197 = arith.select %eq3A_194, %broadcast_in_dim3A_196, %scan3A_144 : vector<128x4096xi1>, vector<128x4096xf32>
      %eq3A_198 = vector.broadcast %broadcast_in_dim3A_171 : vector<128x1xi32> to vector<128x4096xi32>
      %eq3A_199 = arith.cmpi eq, %iota3A_148, %eq3A_198 : vector<128x4096xi32>
      %jit3A_200 = arith.constant 1.000000e+09 : f32
      %broadcast_in_dim3A_201 = vector.broadcast %jit3A_200 : f32 to vector<128x4096xf32>
      %select_n3A_202 = arith.select %eq3A_199, %broadcast_in_dim3A_201, %scan3A_145 : vector<128x4096xi1>, vector<128x4096xf32>
      scf.yield %select_n3A_197, %select_n3A_202, %select_n3A_185, %select_n3A_192 : vector<128x4096xf32>, vector<128x4096xf32>, vector<128x32xi32>, vector<128x32xi32>
    }
    %scan3A_131 = arith.constant 32 : i32
    %swap3A = arith.constant 0 : index
    %swap3A_132 = arith.constant 0 : index
    %swap3A_133 = arith.constant 0 : index
    %swap3A_134 = vector.load %arg5[%swap3A, %swap3A_132, %swap3A_133] : memref<1x128x32xi32, #tpu.memory_space<vmem>>, vector<1x128x32xi32>
    %swap3A_135 = vector.shape_cast %swap3A_134 : vector<1x128x32xi32> to vector<128x32xi32>
    %swap3A_136 = vector.shape_cast %scan3A_130#2 : vector<128x32xi32> to vector<1x128x32xi32>
    tpu.vector_store %arg5[%swap3A, %swap3A_132, %swap3A_133], %swap3A_136 {strides = array<i32>} : memref<1x128x32xi32, #tpu.memory_space<vmem>>, vector<1x128x32xi32>,
    %swap3A_137 = arith.constant 0 : index
    %swap3A_138 = arith.constant 0 : index
    %swap3A_139 = arith.constant 0 : index
    %swap3A_140 = vector.load %arg6[%swap3A_137, %swap3A_138, %swap3A_139] : memref<1x128x32xi32, #tpu.memory_space<vmem>>, vector<1x128x32xi32>
    %swap3A_141 = vector.shape_cast %swap3A_140 : vector<1x128x32xi32> to vector<128x32xi32>
    %swap3A_142 = vector.shape_cast %scan3A_130#3 : vector<128x32xi32> to vector<1x128x32xi32>
    tpu.vector_store %arg6[%swap3A_137, %swap3A_138, %swap3A_139], %swap3A_142 {strides = array<i32>} : memref<1x128x32xi32, #tpu.memory_space<vmem>>, vector<1x128x32xi32>,
    return
  }
  func.func @transform_0(%arg0: i32, %arg1: i32) -> (i32, i32, i32) {
    %c0_i32 = arith.constant 0 : i32
    %c0_i32_0 = arith.constant 0 : i32
    %c0_i32_1 = arith.constant 0 : i32
    return %arg0, %c0_i32, %c0_i32_0 : i32, i32, i32
  }
  func.func @transform_1(%arg0: i32, %arg1: i32) -> (i32, i32, i32) {
    %c0_i32 = arith.constant 0 : i32
    %c0_i32_0 = arith.constant 0 : i32
    %c0_i32_1 = arith.constant 0 : i32
    return %arg0, %c0_i32, %c0_i32_0 : i32, i32, i32
  }
  func.func @transform_2(%arg0: i32, %arg1: i32) -> (i32, i32, i32) {
    %c0_i32 = arith.constant 0 : i32
    %c0_i32_0 = arith.constant 0 : i32
    return %arg0, %arg1, %c0_i32 : i32, i32, i32
  }
  func.func @transform_3(%arg0: i32, %arg1: i32) -> (i32, i32, i32) {
    %c0_i32 = arith.constant 0 : i32
    %c0_i32_0 = arith.constant 0 : i32
    return %arg0, %arg1, %c0_i32 : i32, i32, i32
  }
  func.func @transform_4(%arg0: i32, %arg1: i32) -> (i32, i32, i32) {
    %c0_i32 = arith.constant 0 : i32
    %c0_i32_0 = arith.constant 0 : i32
    return %arg0, %arg1, %c0_i32 : i32, i32, i32
  }
}

module attributes {stable_mosaic.version = 14 : i64} {
  func.func @_p1_body(%arg0: i32, %arg1: i32, %arg2: i32, %arg3: memref<1x1x4096x32xf32, #tpu.memory_space<vmem>>, %arg4: memref<1x128x3xf32, #tpu.memory_space<vmem>>, %arg5: memref<32x32xf32, #tpu.memory_space<vmem>>, %arg6: memref<1x32xf32, #tpu.memory_space<vmem>>, %arg7: memref<1x1x4096x32xf32, #tpu.memory_space<vmem>>, %arg8: memref<1x8x128xf32, #tpu.memory_space<vmem>>) attributes {dimension_semantics = [#tpu.dimension_semantics<arbitrary>, #tpu.dimension_semantics<arbitrary>, #tpu.dimension_semantics<arbitrary>], iteration_bounds = array<i64: 2, 4, 8>, scalar_prefetch = 0 : i64, scratch_operands = 0 : i64, tpu.core_type = #tpu.core_type<tc>, window_params = [{transform_indices = @transform_0, window_bounds = array<i64: 1, 1, 4096, 32>}, {transform_indices = @transform_1, window_bounds = array<i64: 1, 128, 3>}, {pipeline_mode = #tpu.pipeline_mode<synchronous>, transform_indices = @transform_2, window_bounds = array<i64: 32, 32>}, {pipeline_mode = #tpu.pipeline_mode<synchronous>, transform_indices = @transform_3, window_bounds = array<i64: 1, 32>}, {transform_indices = @transform_4, window_bounds = array<i64: 1, 1, 4096, 32>}, {transform_indices = @transform_5, window_bounds = array<i64: 1, 8, 128>}]} {
    %eq3A = arith.constant 0 : i32
    %eq3A_0 = arith.cmpi eq, %arg1, %eq3A : i32
    %eq3A_1 = arith.constant 0 : i32
    %eq3A_2 = arith.cmpi eq, %arg2, %eq3A_1 : i32
    %and3A = arith.andi %eq3A_0, %eq3A_2 : i1
    %get3A = arith.constant 0 : index
    %get3A_3 = arith.constant 0 : index
    %get3A_4 = arith.constant 0 : index
    %get3A_5 = arith.constant 0 : index
    %get3A_6 = vector.load %arg3[%get3A, %get3A_3, %get3A_4, %get3A_5] : memref<1x1x4096x32xf32, #tpu.memory_space<vmem>>, vector<1x1x4096x32xf32>
    %get3A_7 = vector.shape_cast %get3A_6 : vector<1x1x4096x32xf32> to vector<4096x32xf32>
    %get3A_8 = arith.constant 0 : index
    %get3A_9 = arith.constant 0 : index
    %get3A_10 = arith.constant 0 : index
    %get3A_11 = vector.load %arg4[%get3A_8, %get3A_9, %get3A_10] : memref<1x128x3xf32, #tpu.memory_space<vmem>>, vector<1x128x3xf32>
    %get3A_12 = vector.shape_cast %get3A_11 : vector<1x128x3xf32> to vector<128x3xf32>
    %broadcast_in_dim3A = arith.constant 0.000000e+00 : f32
    %broadcast_in_dim3A_13 = vector.broadcast %broadcast_in_dim3A : f32 to vector<128x29xf32>
    %concatenate3A = tpu.concatenate %get3A_12, %broadcast_in_dim3A_13 in 1 : vector<128x3xf32>, vector<128x29xf32> -> vector<128x32xf32>
    %reshape3A = vector.shape_cast %get3A_7 : vector<4096x32xf32> to vector<128x32x32xf32>
    %broadcast_in_dim3A_14 = vector.shape_cast %concatenate3A : vector<128x32xf32> to vector<128x1x32xf32>
    %sub3A = vector.broadcast %broadcast_in_dim3A_14 : vector<128x1x32xf32> to vector<128x32x32xf32>
    %sub3A_15 = arith.subf %reshape3A, %sub3A : vector<128x32x32xf32>
    %reshape3A_16 = vector.shape_cast %sub3A_15 : vector<128x32x32xf32> to vector<4096x32xf32>
    %get3A_17 = arith.constant 0 : index
    %get3A_18 = arith.constant 0 : index
    %get3A_19 = vector.load %arg5[%get3A_17, %get3A_18] : memref<32x32xf32, #tpu.memory_space<vmem>>, vector<32x32xf32>
    %dot_general3A = arith.constant dense<0.000000e+00> : vector<4096x32xf32>
    %dot_general3A_20 = tpu.matmul %reshape3A_16, %get3A_19, %dot_general3A {dimension_numbers = #tpu.dot_dimension_numbers<[1], [0], [0], [1], [0, 0, 1, 1], [], []>, transpose_lhs_hint = false} : vector<4096x32xf32>, vector<32x32xf32>, vector<4096x32xf32> -> vector<4096x32xf32>
    %get3A_21 = arith.constant 0 : index
    %get3A_22 = arith.constant 0 : index
    %get3A_23 = vector.load %arg6[%get3A_21, %get3A_22] : memref<1x32xf32, #tpu.memory_space<vmem>>, vector<1x32xf32>
    %add3A = vector.broadcast %get3A_23 : vector<1x32xf32> to vector<4096x32xf32>
    %add3A_24 = arith.addf %dot_general3A_20, %add3A : vector<4096x32xf32>
    %swap3A = arith.constant 0 : index
    %swap3A_25 = arith.constant 0 : index
    %swap3A_26 = arith.constant 0 : index
    %swap3A_27 = arith.constant 0 : index
    %swap3A_28 = vector.load %arg7[%swap3A, %swap3A_25, %swap3A_26, %swap3A_27] : memref<1x1x4096x32xf32, #tpu.memory_space<vmem>>, vector<1x1x4096x32xf32>
    %swap3A_29 = vector.shape_cast %swap3A_28 : vector<1x1x4096x32xf32> to vector<4096x32xf32>
    %swap3A_30 = vector.shape_cast %add3A_24 : vector<4096x32xf32> to vector<1x1x4096x32xf32>
    tpu.vector_store %arg7[%swap3A, %swap3A_25, %swap3A_26, %swap3A_27], %swap3A_30 {strides = array<i32>} : memref<1x1x4096x32xf32, #tpu.memory_space<vmem>>, vector<1x1x4096x32xf32>,
    %reduce_sum3A = arith.constant dense<0.000000e+00> : vector<32xf32>
    %reduce_sum3A_31 = vector.multi_reduction <add>, %add3A_24, %reduce_sum3A [0] : vector<4096x32xf32> to vector<32xf32>
    %broadcast_in_dim3A_32 = vector.shape_cast %reduce_sum3A_31 : vector<32xf32> to vector<1x32xf32>
    %mul3A = arith.mulf %add3A_24, %add3A_24 : vector<4096x32xf32>
    %reduce_sum3A_33 = arith.constant dense<0.000000e+00> : vector<32xf32>
    %reduce_sum3A_34 = vector.multi_reduction <add>, %mul3A, %reduce_sum3A_33 [0] : vector<4096x32xf32> to vector<32xf32>
    %broadcast_in_dim3A_35 = vector.shape_cast %reduce_sum3A_34 : vector<32xf32> to vector<1x32xf32>
    %broadcast_in_dim3A_36 = arith.constant 0.000000e+00 : f32
    %broadcast_in_dim3A_37 = vector.broadcast %broadcast_in_dim3A_36 : f32 to vector<1x96xf32>
    %concatenate3A_38 = tpu.concatenate %broadcast_in_dim3A_32, %broadcast_in_dim3A_37 in 1 : vector<1x32xf32>, vector<1x96xf32> -> vector<1x128xf32>
    %concatenate3A_39 = tpu.concatenate %broadcast_in_dim3A_35, %broadcast_in_dim3A_37 in 1 : vector<1x32xf32>, vector<1x96xf32> -> vector<1x128xf32>
    %broadcast_in_dim3A_40 = arith.constant 0.000000e+00 : f32
    %broadcast_in_dim3A_41 = vector.broadcast %broadcast_in_dim3A_40 : f32 to vector<6x128xf32>
    %concatenate3A_42 = tpu.concatenate %concatenate3A_38, %concatenate3A_39, %broadcast_in_dim3A_41 in 0 : vector<1x128xf32>, vector<1x128xf32>, vector<6x128xf32> -> vector<8x128xf32>
    %convert_element_type3A = arith.extui %and3A : i1 to i32
    %cond3A = arith.constant 0 : i32
    %cond3A_43 = arith.cmpi ne, %convert_element_type3A, %cond3A : i32
    scf.if %cond3A_43 {
      %broadcast_in_dim3A_54 = arith.constant 0.000000e+00 : f32
      %broadcast_in_dim3A_55 = vector.broadcast %broadcast_in_dim3A_54 : f32 to vector<1x8x128xf32>
      %swap3A_56 = arith.constant 0 : index
      %swap3A_57 = arith.constant 0 : index
      %swap3A_58 = arith.constant 0 : index
      %swap3A_59 = vector.load %arg8[%swap3A_56, %swap3A_57, %swap3A_58] : memref<1x8x128xf32, #tpu.memory_space<vmem>>, vector<1x8x128xf32>
      tpu.vector_store %arg8[%swap3A_56, %swap3A_57, %swap3A_58], %broadcast_in_dim3A_55 {strides = array<i32>} : memref<1x8x128xf32, #tpu.memory_space<vmem>>, vector<1x8x128xf32>,
    } else {
    }
    %get3A_44 = arith.constant 0 : index
    %get3A_45 = arith.constant 0 : index
    %get3A_46 = arith.constant 0 : index
    %get3A_47 = vector.load %arg8[%get3A_44, %get3A_45, %get3A_46] : memref<1x8x128xf32, #tpu.memory_space<vmem>>, vector<1x8x128xf32>
    %broadcast_in_dim3A_48 = vector.shape_cast %concatenate3A_42 : vector<8x128xf32> to vector<1x8x128xf32>
    %add3A_49 = arith.addf %get3A_47, %broadcast_in_dim3A_48 : vector<1x8x128xf32>
    %swap3A_50 = arith.constant 0 : index
    %swap3A_51 = arith.constant 0 : index
    %swap3A_52 = arith.constant 0 : index
    %swap3A_53 = vector.load %arg8[%swap3A_50, %swap3A_51, %swap3A_52] : memref<1x8x128xf32, #tpu.memory_space<vmem>>, vector<1x8x128xf32>
    tpu.vector_store %arg8[%swap3A_50, %swap3A_51, %swap3A_52], %add3A_49 {strides = array<i32>} : memref<1x8x128xf32, #tpu.memory_space<vmem>>, vector<1x8x128xf32>,
    return
  }
  func.func @transform_0(%arg0: i32, %arg1: i32, %arg2: i32) -> (i32, i32, i32, i32) {
    %c0_i32 = arith.constant 0 : i32
    %c0_i32_0 = arith.constant 0 : i32
    return %arg0, %arg1, %arg2, %c0_i32 : i32, i32, i32, i32
  }
  func.func @transform_1(%arg0: i32, %arg1: i32, %arg2: i32) -> (i32, i32, i32) {
    %c0_i32 = arith.constant 0 : i32
    %c0_i32_0 = arith.constant 0 : i32
    return %arg1, %arg2, %c0_i32 : i32, i32, i32
  }
  func.func @transform_2(%arg0: i32, %arg1: i32, %arg2: i32) -> (i32, i32) {
    %c0_i32 = arith.constant 0 : i32
    %c0_i32_0 = arith.constant 0 : i32
    %c0_i32_1 = arith.constant 0 : i32
    return %c0_i32, %c0_i32_0 : i32, i32
  }
  func.func @transform_3(%arg0: i32, %arg1: i32, %arg2: i32) -> (i32, i32) {
    %c0_i32 = arith.constant 0 : i32
    %c0_i32_0 = arith.constant 0 : i32
    %c0_i32_1 = arith.constant 0 : i32
    return %c0_i32, %c0_i32_0 : i32, i32
  }
  func.func @transform_4(%arg0: i32, %arg1: i32, %arg2: i32) -> (i32, i32, i32, i32) {
    %c0_i32 = arith.constant 0 : i32
    %c0_i32_0 = arith.constant 0 : i32
    return %arg0, %arg1, %arg2, %c0_i32 : i32, i32, i32, i32
  }
  func.func @transform_5(%arg0: i32, %arg1: i32, %arg2: i32) -> (i32, i32, i32) {
    %c0_i32 = arith.constant 0 : i32
    %c0_i32_0 = arith.constant 0 : i32
    %c0_i32_1 = arith.constant 0 : i32
    return %arg0, %c0_i32, %c0_i32_0 : i32, i32, i32
  }
}

module attributes {stable_mosaic.version = 14 : i64} {
  func.func @_p2_body(%arg0: i32, %arg1: i32, %arg2: i32, %arg3: memref<1x1x4096x32xf32, #tpu.memory_space<vmem>>, %arg4: memref<1x8x128xf32, #tpu.memory_space<vmem>>, %arg5: memref<1x32xf32, #tpu.memory_space<vmem>>, %arg6: memref<1x32xf32, #tpu.memory_space<vmem>>, %arg7: memref<32x64xf32, #tpu.memory_space<vmem>>, %arg8: memref<1x64xf32, #tpu.memory_space<vmem>>, %arg9: memref<1x1x128x64xf32, #tpu.memory_space<vmem>>, %arg10: memref<1x1x128x64xf32, #tpu.memory_space<vmem>>, %arg11: memref<1x8x128xf32, #tpu.memory_space<vmem>>) attributes {dimension_semantics = [#tpu.dimension_semantics<arbitrary>, #tpu.dimension_semantics<arbitrary>, #tpu.dimension_semantics<arbitrary>], iteration_bounds = array<i64: 2, 4, 8>, scalar_prefetch = 0 : i64, scratch_operands = 0 : i64, tpu.core_type = #tpu.core_type<tc>, window_params = [{transform_indices = @transform_0, window_bounds = array<i64: 1, 1, 4096, 32>}, {transform_indices = @transform_1, window_bounds = array<i64: 1, 8, 128>}, {pipeline_mode = #tpu.pipeline_mode<synchronous>, transform_indices = @transform_2, window_bounds = array<i64: 1, 32>}, {pipeline_mode = #tpu.pipeline_mode<synchronous>, transform_indices = @transform_3, window_bounds = array<i64: 1, 32>}, {pipeline_mode = #tpu.pipeline_mode<synchronous>, transform_indices = @transform_4, window_bounds = array<i64: 32, 64>}, {pipeline_mode = #tpu.pipeline_mode<synchronous>, transform_indices = @transform_5, window_bounds = array<i64: 1, 64>}, {transform_indices = @transform_6, window_bounds = array<i64: 1, 1, 128, 64>}, {transform_indices = @transform_7, window_bounds = array<i64: 1, 1, 128, 64>}, {transform_indices = @transform_8, window_bounds = array<i64: 1, 8, 128>}]} {
    %eq3A = arith.constant 0 : i32
    %eq3A_0 = arith.cmpi eq, %arg1, %eq3A : i32
    %eq3A_1 = arith.constant 0 : i32
    %eq3A_2 = arith.cmpi eq, %arg2, %eq3A_1 : i32
    %and3A = arith.andi %eq3A_0, %eq3A_2 : i1
    %get3A = arith.constant 0 : index
    %get3A_3 = arith.constant 0 : index
    %get3A_4 = arith.constant 0 : index
    %get3A_5 = vector.load %arg4[%get3A, %get3A_3, %get3A_4] : memref<1x8x128xf32, #tpu.memory_space<vmem>>, vector<1x1x32xf32>
    %get3A_6 = vector.shape_cast %get3A_5 : vector<1x1x32xf32> to vector<1x32xf32>
    %get3A_7 = arith.constant 0 : index
    %get3A_8 = arith.constant 1 : index
    %get3A_9 = arith.constant 0 : index
    %get3A_10 = vector.load %arg4[%get3A_7, %get3A_8, %get3A_9] : memref<1x8x128xf32, #tpu.memory_space<vmem>>, vector<1x1x32xf32>
    %get3A_11 = vector.shape_cast %get3A_10 : vector<1x1x32xf32> to vector<1x32xf32>
    %mul3A = arith.constant 7.62939453E-6 : f32
    %mul3A_12 = vector.broadcast %mul3A : f32 to vector<1x32xf32>
    %mul3A_13 = arith.mulf %get3A_6, %mul3A_12 : vector<1x32xf32>
    %mul3A_14 = arith.constant 7.62939453E-6 : f32
    %mul3A_15 = vector.broadcast %mul3A_14 : f32 to vector<1x32xf32>
    %mul3A_16 = arith.mulf %get3A_11, %mul3A_15 : vector<1x32xf32>
    %mul3A_17 = arith.mulf %mul3A_13, %mul3A_13 : vector<1x32xf32>
    %sub3A = arith.subf %mul3A_16, %mul3A_17 : vector<1x32xf32>
    %get3A_18 = arith.constant 0 : index
    %get3A_19 = arith.constant 0 : index
    %get3A_20 = vector.load %arg5[%get3A_18, %get3A_19] : memref<1x32xf32, #tpu.memory_space<vmem>>, vector<1x32xf32>
    %add3A = arith.constant 9.99999974E-6 : f32
    %add3A_21 = vector.broadcast %add3A : f32 to vector<1x32xf32>
    %add3A_22 = arith.addf %sub3A, %add3A_21 : vector<1x32xf32>
    %rsqrt3A = math.rsqrt %add3A_22 : vector<1x32xf32>
    %mul3A_23 = arith.mulf %get3A_20, %rsqrt3A : vector<1x32xf32>
    %get3A_24 = arith.constant 0 : index
    %get3A_25 = arith.constant 0 : index
    %get3A_26 = vector.load %arg6[%get3A_24, %get3A_25] : memref<1x32xf32, #tpu.memory_space<vmem>>, vector<1x32xf32>
    %mul3A_27 = arith.mulf %mul3A_13, %mul3A_23 : vector<1x32xf32>
    %sub3A_28 = arith.subf %get3A_26, %mul3A_27 : vector<1x32xf32>
    %get3A_29 = arith.constant 0 : index
    %get3A_30 = arith.constant 0 : index
    %get3A_31 = arith.constant 0 : index
    %get3A_32 = arith.constant 0 : index
    %get3A_33 = vector.load %arg3[%get3A_29, %get3A_30, %get3A_31, %get3A_32] : memref<1x1x4096x32xf32, #tpu.memory_space<vmem>>, vector<1x1x4096x32xf32>
    %get3A_34 = vector.shape_cast %get3A_33 : vector<1x1x4096x32xf32> to vector<4096x32xf32>
    %mul3A_35 = vector.broadcast %mul3A_23 : vector<1x32xf32> to vector<4096x32xf32>
    %mul3A_36 = arith.mulf %get3A_34, %mul3A_35 : vector<4096x32xf32>
    %add3A_37 = vector.broadcast %sub3A_28 : vector<1x32xf32> to vector<4096x32xf32>
    %add3A_38 = arith.addf %mul3A_36, %add3A_37 : vector<4096x32xf32>
    %max3A = arith.constant 0.000000e+00 : f32
    %max3A_39 = vector.broadcast %max3A : f32 to vector<4096x32xf32>
    %max3A_40 = arith.maximumf %add3A_38, %max3A_39 : vector<4096x32xf32>
    %get3A_41 = arith.constant 0 : index
    %get3A_42 = arith.constant 0 : index
    %get3A_43 = vector.load %arg7[%get3A_41, %get3A_42] : memref<32x64xf32, #tpu.memory_space<vmem>>, vector<32x64xf32>
    %dot_general3A = arith.constant dense<0.000000e+00> : vector<4096x64xf32>
    %dot_general3A_44 = tpu.matmul %max3A_40, %get3A_43, %dot_general3A {dimension_numbers = #tpu.dot_dimension_numbers<[1], [0], [0], [1], [0, 0, 1, 1], [], []>, transpose_lhs_hint = false} : vector<4096x32xf32>, vector<32x64xf32>, vector<4096x64xf32> -> vector<4096x64xf32>
    %get3A_45 = arith.constant 0 : index
    %get3A_46 = arith.constant 0 : index
    %get3A_47 = vector.load %arg8[%get3A_45, %get3A_46] : memref<1x64xf32, #tpu.memory_space<vmem>>, vector<1x64xf32>
    %add3A_48 = vector.broadcast %get3A_47 : vector<1x64xf32> to vector<4096x64xf32>
    %add3A_49 = arith.addf %dot_general3A_44, %add3A_48 : vector<4096x64xf32>
    %reshape3A = vector.shape_cast %add3A_49 : vector<4096x64xf32> to vector<128x32x64xf32>
    %reduce_max3A = arith.constant dense<0xFF800000> : vector<128x64xf32>
    %reduce_max3A_50 = vector.multi_reduction <maximumf>, %reshape3A, %reduce_max3A [1] : vector<128x32x64xf32> to vector<128x64xf32>
    %swap3A = arith.constant 0 : index
    %swap3A_51 = arith.constant 0 : index
    %swap3A_52 = arith.constant 0 : index
    %swap3A_53 = arith.constant 0 : index
    %swap3A_54 = vector.load %arg9[%swap3A, %swap3A_51, %swap3A_52, %swap3A_53] : memref<1x1x128x64xf32, #tpu.memory_space<vmem>>, vector<1x1x128x64xf32>
    %swap3A_55 = vector.shape_cast %swap3A_54 : vector<1x1x128x64xf32> to vector<128x64xf32>
    %swap3A_56 = vector.shape_cast %reduce_max3A_50 : vector<128x64xf32> to vector<1x1x128x64xf32>
    tpu.vector_store %arg9[%swap3A, %swap3A_51, %swap3A_52, %swap3A_53], %swap3A_56 {strides = array<i32>} : memref<1x1x128x64xf32, #tpu.memory_space<vmem>>, vector<1x1x128x64xf32>,
    %reduce_min3A = arith.constant dense<0x7F800000> : vector<128x64xf32>
    %reduce_min3A_57 = vector.multi_reduction <minimumf>, %reshape3A, %reduce_min3A [1] : vector<128x32x64xf32> to vector<128x64xf32>
    %swap3A_58 = arith.constant 0 : index
    %swap3A_59 = arith.constant 0 : index
    %swap3A_60 = arith.constant 0 : index
    %swap3A_61 = arith.constant 0 : index
    %swap3A_62 = vector.load %arg10[%swap3A_58, %swap3A_59, %swap3A_60, %swap3A_61] : memref<1x1x128x64xf32, #tpu.memory_space<vmem>>, vector<1x1x128x64xf32>
    %swap3A_63 = vector.shape_cast %swap3A_62 : vector<1x1x128x64xf32> to vector<128x64xf32>
    %swap3A_64 = vector.shape_cast %reduce_min3A_57 : vector<128x64xf32> to vector<1x1x128x64xf32>
    tpu.vector_store %arg10[%swap3A_58, %swap3A_59, %swap3A_60, %swap3A_61], %swap3A_64 {strides = array<i32>} : memref<1x1x128x64xf32, #tpu.memory_space<vmem>>, vector<1x1x128x64xf32>,
    %reduce_sum3A = arith.constant dense<0.000000e+00> : vector<64xf32>
    %reduce_sum3A_65 = vector.multi_reduction <add>, %add3A_49, %reduce_sum3A [0] : vector<4096x64xf32> to vector<64xf32>
    %broadcast_in_dim3A = vector.shape_cast %reduce_sum3A_65 : vector<64xf32> to vector<1x64xf32>
    %mul3A_66 = arith.mulf %add3A_49, %add3A_49 : vector<4096x64xf32>
    %reduce_sum3A_67 = arith.constant dense<0.000000e+00> : vector<64xf32>
    %reduce_sum3A_68 = vector.multi_reduction <add>, %mul3A_66, %reduce_sum3A_67 [0] : vector<4096x64xf32> to vector<64xf32>
    %broadcast_in_dim3A_69 = vector.shape_cast %reduce_sum3A_68 : vector<64xf32> to vector<1x64xf32>
    %broadcast_in_dim3A_70 = arith.constant 0.000000e+00 : f32
    %broadcast_in_dim3A_71 = vector.broadcast %broadcast_in_dim3A_70 : f32 to vector<1x64xf32>
    %concatenate3A = tpu.concatenate %broadcast_in_dim3A, %broadcast_in_dim3A_71 in 1 : vector<1x64xf32>, vector<1x64xf32> -> vector<1x128xf32>
    %concatenate3A_72 = tpu.concatenate %broadcast_in_dim3A_69, %broadcast_in_dim3A_71 in 1 : vector<1x64xf32>, vector<1x64xf32> -> vector<1x128xf32>
    %broadcast_in_dim3A_73 = arith.constant 0.000000e+00 : f32
    %broadcast_in_dim3A_74 = vector.broadcast %broadcast_in_dim3A_73 : f32 to vector<6x128xf32>
    %concatenate3A_75 = tpu.concatenate %concatenate3A, %concatenate3A_72, %broadcast_in_dim3A_74 in 0 : vector<1x128xf32>, vector<1x128xf32>, vector<6x128xf32> -> vector<8x128xf32>
    %convert_element_type3A = arith.extui %and3A : i1 to i32
    %cond3A = arith.constant 0 : i32
    %cond3A_76 = arith.cmpi ne, %convert_element_type3A, %cond3A : i32
    scf.if %cond3A_76 {
      %broadcast_in_dim3A_87 = arith.constant 0.000000e+00 : f32
      %broadcast_in_dim3A_88 = vector.broadcast %broadcast_in_dim3A_87 : f32 to vector<1x8x128xf32>
      %swap3A_89 = arith.constant 0 : index
      %swap3A_90 = arith.constant 0 : index
      %swap3A_91 = arith.constant 0 : index
      %swap3A_92 = vector.load %arg11[%swap3A_89, %swap3A_90, %swap3A_91] : memref<1x8x128xf32, #tpu.memory_space<vmem>>, vector<1x8x128xf32>
      tpu.vector_store %arg11[%swap3A_89, %swap3A_90, %swap3A_91], %broadcast_in_dim3A_88 {strides = array<i32>} : memref<1x8x128xf32, #tpu.memory_space<vmem>>, vector<1x8x128xf32>,
    } else {
    }
    %get3A_77 = arith.constant 0 : index
    %get3A_78 = arith.constant 0 : index
    %get3A_79 = arith.constant 0 : index
    %get3A_80 = vector.load %arg11[%get3A_77, %get3A_78, %get3A_79] : memref<1x8x128xf32, #tpu.memory_space<vmem>>, vector<1x8x128xf32>
    %broadcast_in_dim3A_81 = vector.shape_cast %concatenate3A_75 : vector<8x128xf32> to vector<1x8x128xf32>
    %add3A_82 = arith.addf %get3A_80, %broadcast_in_dim3A_81 : vector<1x8x128xf32>
    %swap3A_83 = arith.constant 0 : index
    %swap3A_84 = arith.constant 0 : index
    %swap3A_85 = arith.constant 0 : index
    %swap3A_86 = vector.load %arg11[%swap3A_83, %swap3A_84, %swap3A_85] : memref<1x8x128xf32, #tpu.memory_space<vmem>>, vector<1x8x128xf32>
    tpu.vector_store %arg11[%swap3A_83, %swap3A_84, %swap3A_85], %add3A_82 {strides = array<i32>} : memref<1x8x128xf32, #tpu.memory_space<vmem>>, vector<1x8x128xf32>,
    return
  }
  func.func @transform_0(%arg0: i32, %arg1: i32, %arg2: i32) -> (i32, i32, i32, i32) {
    %c0_i32 = arith.constant 0 : i32
    %c0_i32_0 = arith.constant 0 : i32
    return %arg0, %arg1, %arg2, %c0_i32 : i32, i32, i32, i32
  }
  func.func @transform_1(%arg0: i32, %arg1: i32, %arg2: i32) -> (i32, i32, i32) {
    %c0_i32 = arith.constant 0 : i32
    %c0_i32_0 = arith.constant 0 : i32
    %c0_i32_1 = arith.constant 0 : i32
    return %arg0, %c0_i32, %c0_i32_0 : i32, i32, i32
  }
  func.func @transform_2(%arg0: i32, %arg1: i32, %arg2: i32) -> (i32, i32) {
    %c0_i32 = arith.constant 0 : i32
    %c0_i32_0 = arith.constant 0 : i32
    %c0_i32_1 = arith.constant 0 : i32
    return %c0_i32, %c0_i32_0 : i32, i32
  }
  func.func @transform_3(%arg0: i32, %arg1: i32, %arg2: i32) -> (i32, i32) {
    %c0_i32 = arith.constant 0 : i32
    %c0_i32_0 = arith.constant 0 : i32
    %c0_i32_1 = arith.constant 0 : i32
    return %c0_i32, %c0_i32_0 : i32, i32
  }
  func.func @transform_4(%arg0: i32, %arg1: i32, %arg2: i32) -> (i32, i32) {
    %c0_i32 = arith.constant 0 : i32
    %c0_i32_0 = arith.constant 0 : i32
    %c0_i32_1 = arith.constant 0 : i32
    return %c0_i32, %c0_i32_0 : i32, i32
  }
  func.func @transform_5(%arg0: i32, %arg1: i32, %arg2: i32) -> (i32, i32) {
    %c0_i32 = arith.constant 0 : i32
    %c0_i32_0 = arith.constant 0 : i32
    %c0_i32_1 = arith.constant 0 : i32
    return %c0_i32, %c0_i32_0 : i32, i32
  }
  func.func @transform_6(%arg0: i32, %arg1: i32, %arg2: i32) -> (i32, i32, i32, i32) {
    %c0_i32 = arith.constant 0 : i32
    %c0_i32_0 = arith.constant 0 : i32
    return %arg0, %arg1, %arg2, %c0_i32 : i32, i32, i32, i32
  }
  func.func @transform_7(%arg0: i32, %arg1: i32, %arg2: i32) -> (i32, i32, i32, i32) {
    %c0_i32 = arith.constant 0 : i32
    %c0_i32_0 = arith.constant 0 : i32
    return %arg0, %arg1, %arg2, %c0_i32 : i32, i32, i32, i32
  }
  func.func @transform_8(%arg0: i32, %arg1: i32, %arg2: i32) -> (i32, i32, i32) {
    %c0_i32 = arith.constant 0 : i32
    %c0_i32_0 = arith.constant 0 : i32
    %c0_i32_1 = arith.constant 0 : i32
    return %arg0, %c0_i32, %c0_i32_0 : i32, i32, i32
  }
}

module attributes {stable_mosaic.version = 14 : i64} {
  func.func @_p3_body(%arg0: i32, %arg1: i32, %arg2: memref<1x1x1024x64xf32, #tpu.memory_space<vmem>>, %arg3: memref<1x1x1024x64xf32, #tpu.memory_space<vmem>>, %arg4: memref<1x8x128xf32, #tpu.memory_space<vmem>>, %arg5: memref<1x64xf32, #tpu.memory_space<vmem>>, %arg6: memref<1x64xf32, #tpu.memory_space<vmem>>, %arg7: memref<1x1x1024x64xf32, #tpu.memory_space<vmem>>) attributes {dimension_semantics = [#tpu.dimension_semantics<arbitrary>, #tpu.dimension_semantics<arbitrary>], iteration_bounds = array<i64: 2, 4>, scalar_prefetch = 0 : i64, scratch_operands = 0 : i64, tpu.core_type = #tpu.core_type<tc>, window_params = [{transform_indices = @transform_0, window_bounds = array<i64: 1, 1, 1024, 64>}, {transform_indices = @transform_1, window_bounds = array<i64: 1, 1, 1024, 64>}, {transform_indices = @transform_2, window_bounds = array<i64: 1, 8, 128>}, {pipeline_mode = #tpu.pipeline_mode<synchronous>, transform_indices = @transform_3, window_bounds = array<i64: 1, 64>}, {pipeline_mode = #tpu.pipeline_mode<synchronous>, transform_indices = @transform_4, window_bounds = array<i64: 1, 64>}, {transform_indices = @transform_5, window_bounds = array<i64: 1, 1, 1024, 64>}]} {
    %get3A = arith.constant 0 : index
    %get3A_0 = arith.constant 0 : index
    %get3A_1 = arith.constant 0 : index
    %get3A_2 = vector.load %arg4[%get3A, %get3A_0, %get3A_1] : memref<1x8x128xf32, #tpu.memory_space<vmem>>, vector<1x1x64xf32>
    %get3A_3 = vector.shape_cast %get3A_2 : vector<1x1x64xf32> to vector<1x64xf32>
    %get3A_4 = arith.constant 0 : index
    %get3A_5 = arith.constant 1 : index
    %get3A_6 = arith.constant 0 : index
    %get3A_7 = vector.load %arg4[%get3A_4, %get3A_5, %get3A_6] : memref<1x8x128xf32, #tpu.memory_space<vmem>>, vector<1x1x64xf32>
    %get3A_8 = vector.shape_cast %get3A_7 : vector<1x1x64xf32> to vector<1x64xf32>
    %mul3A = arith.constant 7.62939453E-6 : f32
    %mul3A_9 = vector.broadcast %mul3A : f32 to vector<1x64xf32>
    %mul3A_10 = arith.mulf %get3A_3, %mul3A_9 : vector<1x64xf32>
    %mul3A_11 = arith.constant 7.62939453E-6 : f32
    %mul3A_12 = vector.broadcast %mul3A_11 : f32 to vector<1x64xf32>
    %mul3A_13 = arith.mulf %get3A_8, %mul3A_12 : vector<1x64xf32>
    %mul3A_14 = arith.mulf %mul3A_10, %mul3A_10 : vector<1x64xf32>
    %sub3A = arith.subf %mul3A_13, %mul3A_14 : vector<1x64xf32>
    %get3A_15 = arith.constant 0 : index
    %get3A_16 = arith.constant 0 : index
    %get3A_17 = vector.load %arg5[%get3A_15, %get3A_16] : memref<1x64xf32, #tpu.memory_space<vmem>>, vector<1x64xf32>
    %add3A = arith.constant 9.99999974E-6 : f32
    %add3A_18 = vector.broadcast %add3A : f32 to vector<1x64xf32>
    %add3A_19 = arith.addf %sub3A, %add3A_18 : vector<1x64xf32>
    %rsqrt3A = math.rsqrt %add3A_19 : vector<1x64xf32>
    %mul3A_20 = arith.mulf %get3A_17, %rsqrt3A : vector<1x64xf32>
    %get3A_21 = arith.constant 0 : index
    %get3A_22 = arith.constant 0 : index
    %get3A_23 = vector.load %arg6[%get3A_21, %get3A_22] : memref<1x64xf32, #tpu.memory_space<vmem>>, vector<1x64xf32>
    %mul3A_24 = arith.mulf %mul3A_10, %mul3A_20 : vector<1x64xf32>
    %sub3A_25 = arith.subf %get3A_23, %mul3A_24 : vector<1x64xf32>
    %get3A_26 = arith.constant 0 : index
    %get3A_27 = arith.constant 0 : index
    %get3A_28 = arith.constant 0 : index
    %get3A_29 = arith.constant 0 : index
    %get3A_30 = vector.load %arg2[%get3A_26, %get3A_27, %get3A_28, %get3A_29] : memref<1x1x1024x64xf32, #tpu.memory_space<vmem>>, vector<1x1x1024x64xf32>
    %get3A_31 = vector.shape_cast %get3A_30 : vector<1x1x1024x64xf32> to vector<1024x64xf32>
    %get3A_32 = arith.constant 0 : index
    %get3A_33 = arith.constant 0 : index
    %get3A_34 = arith.constant 0 : index
    %get3A_35 = arith.constant 0 : index
    %get3A_36 = vector.load %arg3[%get3A_32, %get3A_33, %get3A_34, %get3A_35] : memref<1x1x1024x64xf32, #tpu.memory_space<vmem>>, vector<1x1x1024x64xf32>
    %get3A_37 = vector.shape_cast %get3A_36 : vector<1x1x1024x64xf32> to vector<1024x64xf32>
    %gt3A = arith.constant 0.000000e+00 : f32
    %gt3A_38 = vector.broadcast %gt3A : f32 to vector<1x64xf32>
    %gt3A_39 = arith.cmpf ogt, %mul3A_20, %gt3A_38 : vector<1x64xf32>
    %mul3A_40 = vector.broadcast %mul3A_20 : vector<1x64xf32> to vector<1024x64xf32>
    %mul3A_41 = arith.mulf %get3A_31, %mul3A_40 : vector<1024x64xf32>
    %add3A_42 = vector.broadcast %sub3A_25 : vector<1x64xf32> to vector<1024x64xf32>
    %add3A_43 = arith.addf %mul3A_41, %add3A_42 : vector<1024x64xf32>
    %mul3A_44 = vector.broadcast %mul3A_20 : vector<1x64xf32> to vector<1024x64xf32>
    %mul3A_45 = arith.mulf %get3A_37, %mul3A_44 : vector<1024x64xf32>
    %add3A_46 = vector.broadcast %sub3A_25 : vector<1x64xf32> to vector<1024x64xf32>
    %add3A_47 = arith.addf %mul3A_45, %add3A_46 : vector<1024x64xf32>
    %broadcast_in_dim3A = vector.shape_cast %gt3A_39 : vector<1x64xi1> to vector<1x64xi1>
    %broadcast_in_dim3A_48 = vector.broadcast %broadcast_in_dim3A : vector<1x64xi1> to vector<1024x64xi1>
    %select_n3A = arith.select %broadcast_in_dim3A_48, %add3A_43, %add3A_47 : vector<1024x64xi1>, vector<1024x64xf32>
    %max3A = arith.constant 0.000000e+00 : f32
    %max3A_49 = vector.broadcast %max3A : f32 to vector<1024x64xf32>
    %max3A_50 = arith.maximumf %select_n3A, %max3A_49 : vector<1024x64xf32>
    %swap3A = arith.constant 0 : index
    %swap3A_51 = arith.constant 0 : index
    %swap3A_52 = arith.constant 0 : index
    %swap3A_53 = arith.constant 0 : index
    %swap3A_54 = vector.load %arg7[%swap3A, %swap3A_51, %swap3A_52, %swap3A_53] : memref<1x1x1024x64xf32, #tpu.memory_space<vmem>>, vector<1x1x1024x64xf32>
    %swap3A_55 = vector.shape_cast %swap3A_54 : vector<1x1x1024x64xf32> to vector<1024x64xf32>
    %swap3A_56 = vector.shape_cast %max3A_50 : vector<1024x64xf32> to vector<1x1x1024x64xf32>
    tpu.vector_store %arg7[%swap3A, %swap3A_51, %swap3A_52, %swap3A_53], %swap3A_56 {strides = array<i32>} : memref<1x1x1024x64xf32, #tpu.memory_space<vmem>>, vector<1x1x1024x64xf32>,
    return
  }
  func.func @transform_0(%arg0: i32, %arg1: i32) -> (i32, i32, i32, i32) {
    %c0_i32 = arith.constant 0 : i32
    %c0_i32_0 = arith.constant 0 : i32
    %c0_i32_1 = arith.constant 0 : i32
    return %arg0, %arg1, %c0_i32, %c0_i32_0 : i32, i32, i32, i32
  }
  func.func @transform_1(%arg0: i32, %arg1: i32) -> (i32, i32, i32, i32) {
    %c0_i32 = arith.constant 0 : i32
    %c0_i32_0 = arith.constant 0 : i32
    %c0_i32_1 = arith.constant 0 : i32
    return %arg0, %arg1, %c0_i32, %c0_i32_0 : i32, i32, i32, i32
  }
  func.func @transform_2(%arg0: i32, %arg1: i32) -> (i32, i32, i32) {
    %c0_i32 = arith.constant 0 : i32
    %c0_i32_0 = arith.constant 0 : i32
    %c0_i32_1 = arith.constant 0 : i32
    return %arg0, %c0_i32, %c0_i32_0 : i32, i32, i32
  }
  func.func @transform_3(%arg0: i32, %arg1: i32) -> (i32, i32) {
    %c0_i32 = arith.constant 0 : i32
    %c0_i32_0 = arith.constant 0 : i32
    %c0_i32_1 = arith.constant 0 : i32
    return %c0_i32, %c0_i32_0 : i32, i32
  }
  func.func @transform_4(%arg0: i32, %arg1: i32) -> (i32, i32) {
    %c0_i32 = arith.constant 0 : i32
    %c0_i32_0 = arith.constant 0 : i32
    %c0_i32_1 = arith.constant 0 : i32
    return %c0_i32, %c0_i32_0 : i32, i32
  }
  func.func @transform_5(%arg0: i32, %arg1: i32) -> (i32, i32, i32, i32) {
    %c0_i32 = arith.constant 0 : i32
    %c0_i32_0 = arith.constant 0 : i32
    %c0_i32_1 = arith.constant 0 : i32
    return %arg0, %arg1, %c0_i32, %c0_i32_0 : i32, i32, i32, i32
  }
}

</mosaic_0001>

<sc_bundles>
// kernel: kernel.7.cloned.1.call-start
scs
__scs_entry_jumppad:
0x0: {  	(pc) =	sbr.rel $0x88, $3  }
0x1: {  	(tag) =	ssettag $0x0;
	lr =	simm.s32 $0x1  }
0x2: {  	[smem:$0x3F95] =	sst lr;
	_ =	strace $0xD0000000  }
0x3: {  	_ = 	snop  }
0x4: {  	_ = 	snop  }
0x5: {  	_ = 	snop  }
0x6: {  	_ = 	snop  }
0x7: {  	_ = 	snop  }
__scs_overlays_trampoline_lowered:
0x8: {  	[smem:$0x3FA4] =	sst s0  }
0x9: {  	[smem:$0x3FA5] =	sst s1  }
0xa: {  	[smem:$0x3FA6] =	sst s2  }
0xb: {  	[smem:$0x3FA7] =	sst s3  }
0xc: {  	[smem:$0x3FA8] =	sst s4  }
0xd: {  	[smem:$0x3FA9] =	sst s5  }
0xe: {  	[smem:$0x3FAA] =	sst s6  }
0xf: {  	[smem:$0x3FAB] =	sst s7  }
0x10: {  	[smem:$0x3FAC] =	sst s8  }
0x11: {  	[smem:$0x3FAD] =	sst s9;
	s0 =	simm.s32 @!p0 $0x0  }
0x12: {  	s1 =	sld [smem:$0x3F93];
	s0 =	simm.s32 @p0 $0x1  }
0x13: {  	[smem:$0x3FAE] =	sst s0;
	s0 =	simm.s32 @!p1 $0x0  }
0x14: {  	s2 =	sld [smem:$0x3F92];
	s0 =	simm.s32 @p1 $0x1  }
0x15: {  	[smem:$0x3FAF] =	sst s0;
	s0 =	simm.s32 @!p2 $0x0  }
0x16: {  	s3 =	sld [smem:$0x3FDB];
	s0 =	simm.s32 @p2 $0x1  }
0x17: {  	s4 =	simm.s32 $0x1BF5;
	[smem:$0x3FB1] =	sst s0  }
0x18: {  	s0 =	sld [smem:$0x3F94];
	_ =	swait.ge [sflag:s4], $0x0  }
0x19: {  	s7 =	sld [smem:$0x3F95]  }
0x1a: {  	s8 =	sadd.s32 $0xFFFFE003, lr  }
0x1b: {  	s9 =	sadd.s32 $0xFFFFFEF7, lr;
	s5 =	simm.s32 $0xFFFFFFFF;
	p2 =	slt.u32 s8, $0xFFFFF086  }
0x1c: {  	p1 =	slt.u32 s9, $0xF7A;
	s5 =	simm.s32 @!p2 $0x0  }
0x1d: {  	s5 =	simm.s32 @p1 $0x1;
	p0 =	seq.s32 s7, s2  }
0x1e: {  	s7 =	smul.u32 @!p0 $0xF7A, s2;
	p2 =	seq.s32 @!p0 s5, $0x0  }
0x1f: {  	s9 =	smul.u32 $0xF7A, s1;
	s8 =	simm.s32 @!p0 $0x1BF5;
	p2 =	por !p2, p0  }
0x20: {  	[sflag:s8] =	ssyncset.s32 @!p0 $0xFFFFF086;
	s6 =	sadd.s32 @!p0 s3, s7;
	s7 =	simm.s32 @!p0 $0x108  }
0x21: {  	s3 =	sadd.s32 s3, s9;
	s6 =	sadd.s32 @!p0 $0x88, s6;
	s7 =	simm.s32 @p2 $0x1082  }
0x22: {  	[simem:s7], [sflag:s8] =	dma.local @!p0 [hbm:s6], $0xF7A  }
0x23: {  	s9 =	sor.u32 $0xD0000000, s2;
	s6 =	simm.s32 $0x108;
	_ =	swait.ge @!p0 [sflag:s8], $0x0  }
0x24: {  	s3 =	sadd.s32 $0x88, s3;
	s6 =	simm.s32 @!p1 $0x1082;
	[sflag:s4] =	ssyncset.s32 $0xFFFFF086  }
0x25: {  	[simem:s6], [sflag:s4] =	dma.local [hbm:s3], $0xF7A  }
0x26: {  	[smem:$0x3F95] =	sst s1;
	(tag) =	ssettag s2;
	_ =	strace s9  }
0x27: {  	s1 =	sld [smem:$0x3FA5]  }
0x28: {  	s2 =	sld [smem:$0x3FA6]  }
0x29: {  	s4 =	sld [smem:$0x3FA8]  }
0x2a: {  	p0 =	seq.s32 s5, $0x0;
	s5 =	sld [smem:$0x3FA9]  }
0x2b: {  	s6 =	sld [smem:$0x3FAA]  }
0x2c: {  	s7 =	sld [smem:$0x3FAB]  }
0x2d: {  	s3 =	simm.s32 $0x108;
	s8 =	sld [smem:$0x3FAC]  }
0x2e: {  	s3 =	simm.s32 @!p0 $0x1082;
	s9 =	sld [smem:$0x3FAD]  }
0x2f: {  	lr =	sadd.s32 s0, s3;
	s0 =	sld [smem:$0x3FA4]  }
0x30: {  	s3 =	sld [smem:$0x3FA7]  }
0x31: {  	[smem:$0x3FB0] =	sst s10  }
0x32: {  	s10 =	sld [smem:$0x3FAE];
	_ =	sdelay $0x3  }
0x33: {  	p0 =	seq.s32 s10, $0x1;
	s10 =	sld [smem:$0x3FB0];
	_ =	sdelay $0x3  }
0x34: {  	[smem:$0x3FB0] =	sst s10  }
0x35: {  	s10 =	sld [smem:$0x3FAF];
	_ =	sdelay $0x3  }
0x36: {  	p1 =	seq.s32 s10, $0x1;
	s10 =	sld [smem:$0x3FB0];
	_ =	sdelay $0x3  }
0x37: {  	[smem:$0x3FB0] =	sst s10  }
0x38: {  	s10 =	sld [smem:$0x3FB1]  }
0x39: {  	_ = 	snop;
	(pc) =	sbr.ind lr, $3  }
0x3a: {  	_ = 	snop  }
0x3b: {  	_ = 	snop  }
0x3c: {  	p2 =	seq.s32 s10, $0x1;
	s10 =	sld [smem:$0x3FB0]  }
0x3d: {  	_ =	shalt  }
0x3e: {  	_ =	shalt  }
0x3f: {  	_ =	shalt  }
0x40: {  	_ =	shalt  }
0x41: {  	_ =	shalt  }
0x42: {  	_ =	shalt  }
0x43: {  	_ =	shalt  }
0x44: {  	_ =	shalt  }
0x45: {  	_ =	shalt  }
0x46: {  	_ =	shalt  }
0x47: {  	_ =	shalt  }
0x48: {  	_ =	shalt  }
0x49: {  	_ =	shalt  }
0x4a: {  	_ =	shalt  }
0x4b: {  	_ =	shalt  }
0x4c: {  	_ =	shalt  }
0x4d: {  	_ =	shalt  }
0x4e: {  	_ =	shalt  }
0x4f: {  	_ =	shalt  }
0x50: {  	_ =	shalt  }
0x51: {  	_ =	shalt  }
0x52: {  	_ =	shalt  }
0x53: {  	_ =	shalt  }
0x54: {  	_ =	shalt  }
0x55: {  	_ =	shalt  }
0x56: {  	_ =	shalt  }
0x57: {  	_ =	shalt  }
0x58: {  	_ =	shalt  }
0x59: {  	_ =	shalt  }
0x5a: {  	_ =	shalt  }
0x5b: {  	_ =	shalt  }
0x5c: {  	_ =	shalt  }
0x5d: {  	_ =	shalt  }
0x5e: {  	_ =	shalt  }
0x5f: {  	_ =	shalt  }
0x60: {  	_ =	shalt  }
0x61: {  	_ =	shalt  }
0x62: {  	_ =	shalt  }
0x63: {  	_ =	shalt  }
0x64: {  	_ =	shalt  }
0x65: {  	_ =	shalt  }
0x66: {  	_ =	shalt  }
0x67: {  	_ =	shalt  }
0x68: {  	_ =	shalt  }
0x69: {  	_ =	shalt  }
0x6a: {  	_ =	shalt  }
0x6b: {  	_ =	shalt  }
0x6c: {  	_ =	shalt  }
0x6d: {  	_ =	shalt  }
0x6e: {  	_ =	shalt  }
0x6f: {  	_ =	shalt  }
0x70: {  	_ =	shalt  }
0x71: {  	_ =	shalt  }
0x72: {  	_ =	shalt  }
0x73: {  	_ =	shalt  }
0x74: {  	_ =	shalt  }
0x75: {  	_ =	shalt  }
0x76: {  	_ =	shalt  }
0x77: {  	_ =	shalt  }
0x78: {  	_ =	shalt  }
0x79: {  	_ =	shalt  }
0x7a: {  	_ =	shalt  }
0x7b: {  	_ =	shalt  }
0x7c: {  	_ =	shalt  }
0x7d: {  	_ =	shalt  }
0x7e: {  	_ =	shalt  }
0x7f: {  	_ =	shalt  }
0x80: {  	_ =	shalt  }
0x81: {  	_ =	shalt  }
0x82: {  	_ =	shalt  }
0x83: {  	_ =	shalt  }
0x84: {  	_ =	shalt  }
0x85: {  	_ =	shalt  }
0x86: {  	_ =	shalt  }
0x87: {  	_ =	shalt  }
.Lfunc_end0:
.L_simem_size_0:
called_computation_lowered:
.L_overlay_start_0:
0x88: {  	s2 =	sld [smem:$0x3FD9]  }
0x89: {  	s3 =	sld [smem:$0x3FFE];
	_ =	sdelay $0x1  }
0x8a: {  	s1 =	srdreg.scid  }
0x8b: {  	s0 =	sand.u32 $0x1, s1  }
0x8c: {  	s14 =	sshll.u32 s0, $0xA;
	s2 =	sadd.s32 s3, s2  }
0x8d: {  	s2 =	sadd.s32 s2, s14  }
0x8e: {  	[smem:$0x3FBC] =	sst s2  }
0x8f: {  	_ = 	snop  }
0x90: {  	s2 =	sld [smem:$0x3FD0];
	_ =	sdelay $0x2  }
0x91: {  	s15 =	simm.s32 $0xA;
	s4 =	simm.s32 $0x10  }
0x92: {  	[smem:s4], [sflag:s15] =	dma.local [hbm:s2], $0x1  }
0x93: {  	_ =	swait.eq [sflag:s15], $0x1  }
0x94: {  	[sflag:s15] =	ssyncset.done $0x0  }
0x95: {  	[sflag:s15] =	ssyncadd.s32 $0xFFFFFFFF  }
0x96: {  	s16 =	sld [smem:$0x11];
	(tm) =	ssettm $0x1  }
0x97: {  	s17 =	sld [smem:$0x3FFB];
	_ =	sdelay $0x3  }
0x98: {  	_ =	strace s17  }
0x99: {  	s3 =	sld [smem:$0x3FFC];
	_ =	sdelay $0x3  }
0x9a: {  	_ =	strace s3  }
0x9b: {  	s3 =	sld [smem:$0x3FFD];
	_ =	sdelay $0x3  }
0x9c: {  	_ =	strace s3  }
0x9d: {  	_ =	strace $0x8FFFFFFF  }
0x9e: {  	s18 =	sld [smem:$0x3FDB];
	_ =	sdelay $0x1  }
0x9f: {  	s19 =	simm.s32 $_scs_section_size  }
0xa0: {  	s5 =	simm.s32 $_size__tile_overlayer_lowered;
	s6 =	simm.s32 $_tile_overlayer_lowered  }
0xa1: {  	s22 =	simm.s32 $0x1BFF;
	s21 =	sshll.u32 s6, $0x1;
	s3 =	sadd.s32 s19, s18  }
0xa2: {  	s7 =	simm.s32 $0x0;
	s20 =	sshll.u32 s5, $0x1;
	s5 =	sadd.s32 s21, s3  }
0xa3: {  	[timem:s7], [sflag:s22] =	dma.local [hbm:s5], s20  }
0xa4: {  	_ =	swait.ge [sflag:s22], s20  }
0xa5: {  	s4 =	ssub.s32 $0x0, s20;
	[sflag:s22] =	ssyncset.done $0x0  }
0xa6: {  	[sflag:s22] =	ssyncadd.s32 s4;
	_ =	sdelay $0x1  }
0xa7: {  	s23 =	simm.s32 $0x1B8B  }
0xa8: {  	_ =	swait.ge [sflag:s23], $0x1  }
0xa9: {  	[sflag:s23] =	ssyncset.done $0x0  }
0xaa: {  	s25 =	simm.s32 $0x1B8E;
	s24 =	sld [smem:$0x3FFE];
	[sflag:s23] =	ssyncadd.s32 $0xFFFFFFFF  }
0xab: {  	s26 =	simm.s32 $execute0_lowered;
	[smem:$0x3FD2] =	sst s25  }
0xac: {  	s5 =	sshll.u32 s26, $0x1;
	_ =	strace $0x80000046;
	[dreg:$0x1] =	wrdreg $0xFFFFFFFF  }
0xad: {  	s28 =	simm.s32 $_size_execute0_lowered;
	s3 =	sadd.s32 s3, s5;
	[dreg:$0x0] =	wrdreg $0x0  }
0xae: {  	s5 =	sshll.u32 s28, $0x1;
	[dreg:$0x2] =	wrdreg s3  }
0xaf: {  	[dreg:$0x3] =	wrdreg s5  }
0xb0: {  	[dreg:$0x4] =	wrdreg $0xC0  }
0xb1: {  	_ =	task [dreg:s7], $0x5FFFF  }
0xb2: {  	[dreg:$0x1] =	wrdreg $0xFFFFFFFF  }
0xb3: {  	[dreg:$0x0] =	wrdreg $0x60  }
0xb4: {  	[dreg:$0x2] =	wrdreg s16  }
0xb5: {  	[dreg:$0x3] =	wrdreg s24  }
0xb6: {  	[dreg:$0x4] =	wrdreg $0x9  }
0xb7: {  	_ =	task.clear_ibuf [dreg:s7], $0x5FFFF;
	_ =	strace $0x90000046  }
0xb8: {  	s29 =	simm.s32 $0x9;
	_ =	strace $0x80000048  }
0xb9: {  	_ =	swait.ge [sflag:s29], $0x1  }
0xba: {  	[sflag:s29] =	ssyncadd.s32 $0xFFFFFFFF  }
0xbb: {  	_ =	strace $0x90000048  }
0xbc: {  	_ =	sfence  }
0xbd: {  	s30 =	sld [smem:$0x0];
	_ =	sdelay $0x2  }
0xbe: {  	s31 =	sshll.u32 s1, $0xD;
	s1 =	sshrl.u32 s1, $0x2  }
0xbf: {  	s3 =	sand.u32 $0x4000, s31;
	s1 =	sadd.s32 s1, s30  }
0xc0: {  	s0 =	sor.u32 s3, s0;
	s1 =	sshll.u32 s1, $0x11  }
0xc1: {  	s0 =	sor.u32 s1, s0  }
0xc2: {  	s0 =	sadd.s32 $0x8F2B, s0  }
0xc3: {  	[sflag:s0] =	ssyncadd.remote.s32 $0x1  }
0xc4: {  	_ =	sfence.sel $0xFFFF  }
0xc5: {  	[dreg:$0x0] =	wrdreg $0xFFFFFFFF;
	(pc) =	sbr.abs _section_cstart, $3  }
0xc6: {  	[dreg:$0x1] =	wrdreg $0xFFFFFFFF  }
0xc7: {  	_ =	task.clear_ibuf [dreg:s7], $0x2FFFF;
	_ =	strace $0x9FFFFFFF  }
0xc8: {  	(tm) =	ssettm $0x7FFFFFFF  }
0xc9: {  	_ =	shalt  }
tec
execute0_lowered:
.L_overlay_start_1:
0x0: {  	(tag) =	ssettag $0x1  }
0x1: {  	s1 =	rddreg [dreg:$0x0]  }
0x2: {  	s4 =	rddreg [dreg:$0x1]  }
0x3: {  	s0 =	rddreg [dreg:$0x2];
	s5 =	srdreg.scid  }
0x4: {  	s3 =	simm.s32 $0x0;
	s2 =	stileid.u32;
	s10 =	simm.s32 $0x0  }
0x5: {  	s5 =	sand.u32 $0x1, s5;
	[smem:$0x7FF] =	sst s3;
	s6 =	sshll.u32 s2, $0xE  }
0x6: {  	s8 =	sshll.u32 s2, $0x10;
	s7 =	sshll.u32 s5, $0xD;
	_ =	strace $0x80000047  }
0x7: {  	s31 =	ssub.s32 $0x2, s5;
	s8 =	sadd.s32 s8, s4;
	s5 =	sshll.u32 s5, $0xF  }
0x8: {  	s6 =	sor.u32 s7, s6;
	s9 =	sshrl.u32 s31, $0x1;
	s5 =	sadd.s32 s5, s8  }
0x9: {  	s8 =	simm.s32 $0x80;
	s6 =	sshrl.u32 s6, $0x3;
	s7 =	ssub.s32 s31, s9  }
0xa: {  	s5 =	sadd.s32 $0xA200, s5;
	s9 =	simm.s32 $0x1;
	s6 =	sadd.s32 s6, s4  }
0xb: {  	s4 =	smax.u32 s7, $0x1;
	s7 =	simm.s32 $0x2;
	s6 =	sadd.s32 $0x2200, s6  }
.LBB2_1:
0xc: {  	s11 =	sadd.s32 $0x0, s6  }
0xd: {  	[tilespmem:s3], [sflag:$0x2] =	stream.linear.gather [hbm4b:s11+s3], $0x80, $0x38;
	[tilespmem:$0x1080] =	vst v63  }
0xe: {  	_ =	swait.ge [sflag:s7], $0x80  }
0xf: {  	[sflag:s7] =	ssyncset.done $0x0  }
0x10: {  	[sflag:s7] =	ssyncadd.s32 $0xFFFFFF80  }
0x11: {  	[tilespmem:s8], [sflag:$0x1] =	stream.indirect.gather [hbm4b:s1+s8], $0x20, s3, s8, $0xb8;
	[tilespmem:$0x1080] =	vst v63  }
0x12: {  	_ =	swait.ge [sflag:s9], $0x1000  }
0x13: {  	[sflag:s9] =	ssyncset.done $0x0  }
0x14: {  	[sflag:s9] =	ssyncadd.s32 $0xFFFFF000  }
0x15: {  	[hbm4b:s5+s3] =	stream.linear.scatter [tilespmem:s8], [sflag:$0x2], $0x1000, $0x38;
	[tilespmem:$0x1080] =	vst v63  }
0x16: {  	s12 =	simm.s32 $0x10;
	_ =	swait.ge [sflag:s7], $0x1000  }
0x17: {  	s13 =	simm.s32 $0x20;
	s11 =	sadd.s32 $0x200, s5;
	[sflag:s7] =	ssyncset.done $0x0  }
.LBB2_2:
0x18: {  	s14 =	sadd.s32 s12, s6  }
0x19: {  	[sflag:s7] =	ssyncadd.s32 $0xFFFFF000;
	s12 =	smov.u32 s13;
	s15 =	sadd.s32 $0x10, s13  }
0x1a: {  	[tilespmem:s3], [sflag:$0x2] =	stream.linear.gather [hbm4b:s14+s3], $0x80, $0x38;
	[tilespmem:$0x1080] =	vst v63  }
0x1b: {  	p0 =	sne.s32 s13, $0x3F0;
	_ =	swait.ge [sflag:s7], $0x80  }
0x1c: {  	[sflag:s7] =	ssyncset.done $0x0  }
0x1d: {  	[sflag:s7] =	ssyncadd.s32 $0xFFFFFF80  }
0x1e: {  	[tilespmem:s8], [sflag:$0x1] =	stream.indirect.gather [hbm4b:s1+s8], $0x20, s3, s8, $0xb8;
	[tilespmem:$0x1080] =	vst v63  }
0x1f: {  	_ =	swait.ge [sflag:s9], $0x1000  }
.Ltmp0:
0x20: {  	[sflag:s9] =	ssyncset.done $0x0;
	(pc) =	sbr.rel @p0 .LBB2_2-.Ltmp0, $4  }
0x21: {  	[sflag:s9] =	ssyncadd.s32 $0xFFFFF000  }
0x22: {  	[hbm4b:s11+s3] =	stream.linear.scatter [tilespmem:s8], [sflag:$0x2], $0x1000, $0x38;
	[tilespmem:$0x1080] =	vst v63  }
0x23: {  	_ =	swait.ge [sflag:s7], $0x1000  }
0x24: {  	s13 =	smov.u32 s15;
	s11 =	sadd.s32 $0x200, s11;
	[sflag:s7] =	ssyncset.done $0x0  }
0x25: {  	s12 =	sadd.s32 s12, s6;
	[sflag:s7] =	ssyncadd.s32 $0xFFFFF000  }
0x26: {  	[tilespmem:s3], [sflag:$0x2] =	stream.linear.gather [hbm4b:s12+s3], $0x80, $0x38;
	[tilespmem:$0x1080] =	vst v63  }
0x27: {  	_ =	swait.ge [sflag:s7], $0x80  }
0x28: {  	[sflag:s7] =	ssyncset.done $0x0  }
0x29: {  	[sflag:s7] =	ssyncadd.s32 $0xFFFFFF80  }
0x2a: {  	[tilespmem:s8], [sflag:$0x1] =	stream.indirect.gather [hbm4b:s1+s8], $0x20, s3, s8, $0xb8;
	[tilespmem:$0x1080] =	vst v63  }
0x2b: {  	s10 =	sadd.s32 $0x1, s10;
	_ =	swait.ge [sflag:s9], $0x1000  }
0x2c: {  	p0 =	sne.s32 s10, s4;
	[sflag:s9] =	ssyncset.done $0x0  }
.Ltmp1:
0x2d: {  	[sflag:s9] =	ssyncadd.s32 $0xFFFFF000;
	(pc) =	sbr.rel @p0 .LBB2_1-.Ltmp1, $4  }
0x2e: {  	[hbm4b:s11+s3] =	stream.linear.scatter [tilespmem:s8], [sflag:$0x2], $0x1000, $0x38;
	[tilespmem:$0x1080] =	vst v63  }
0x2f: {  	_ =	swait.ge [sflag:s7], $0x1000  }
0x30: {  	[sflag:s7] =	ssyncset.done $0x0  }
0x31: {  	[sflag:s7] =	ssyncadd.s32 $0xFFFFF000  }
0x32: {  	_ =	sfence.sel $0x180000  }
0x33: {  	[bflag:$0x0] =	sbarrier.arrive $0xFFFF  }
0x34: {  	p0 =	sne.s32 s2, $0x0;
	_ =	strace $0x90000047  }
0x35: {  	s0 =	sadd.s32 @!p0 $0x100000, s0;
	[bflag:$0x2] =	sbarrier.arrive $0xFFFF  }
0x36: {  	[sflag:s0] =	ssyncadd.tile.s32 @!p0 $0x1;
	_ =	shalt  }
.Lfunc_end2:
_tile_overlayer_lowered:
.L_overlay_start_2:
0x37: {  	(tag) =	ssettag $0x2  }
0x38: {  	s0 =	rddreg [dreg:$0x0];
	s2 =	stileid.u32  }
0x39: {  	s1 =	rddreg [dreg:$0x1];
	p0 =	sne.s32 s2, $0x0  }
0x3a: {  	s3 =	rddreg [dreg:$0x2];
	[bflag:$0x3] =	sbarrier.arrive $0xFFFF;
	s2 =	simm.s32 @!p0 $0x1C02  }
0x3b: {  	[timem:s3], [sflag:s2] =	dma.local @!p0 [hbm:s0], s1  }
0x3c: {  	s0 =	simm.s32 @!p0 $0x2  }
0x3d: {  	_ =	swait.ge @!p0 [sflag:s0], s1  }
0x3e: {  	s1 =	ssub.s32 @!p0 $0x0, s1;
	[sflag:s0] =	ssyncset.done @!p0 $0x0  }
0x3f: {  	[sflag:s0] =	ssyncadd.s32 @!p0 s1  }
0x40: {  	[bflag:$0x3] =	sbarrier.arrive $0xFFFF  }
0x41: {  	_ =	shalt  }

</sc_bundles>
